<compile_context>
chip_gen: v7x
topology: tpu7x:2x2x1
jax: 0.10.2.dev20260603
libtpu: 0.0.44.dev20260713+nightly
codegen_flags: <defaults>
</compile_context>

<pallas_src>
import functools

import jax
import jax.numpy as jnp
from jax import lax
from jax.experimental import pallas as pl
from jax.experimental.pallas import tpu as pltpu
from jax.experimental.pallas import tpu_sc as plsc

N = 4096
DIM = 16
KSEL = 31
RB = 256
NBISECT = 8

NC = 2
NS = 16
L = 16
NW = NC * NS
RPW = N // NW
SCB = 8
NBATCH = RPW // SCB
NCH = 256
BIG = 1e30



def _d2_body(x_ref, out_ref, thr_ref):
    i = pl.program_id(0)
    X = x_ref[...]
    xb = x_ref[pl.ds(i * RB, RB), :]
    sq = jnp.sum(X * X, axis=1)
    sqb = jnp.sum(xb * xb, axis=1)
    dot = lax.dot_general(xb, X, (((1,), (1,)), ((), ())),
                          preferred_element_type=jnp.float32)
    d2 = jnp.maximum(sqb[:, None] + sq[None, :] - 2.0 * dot, 0.0)
    out_ref[...] = d2

    hi = (jnp.sqrt(sqb) + jnp.sqrt(jnp.max(sq))) ** 2 + 1.0
    lo = jnp.zeros((RB,), jnp.float32)
    for _ in range(NBISECT):
        mid = 0.5 * (lo + hi)
        c = jnp.sum((d2 < mid[:, None]).astype(jnp.int32), axis=1)
        ge = c >= KSEL
        hi = jnp.where(ge, mid, hi)
        lo = jnp.where(ge, lo, mid)
    thr_ref[...] = hi


def _pairwise_d2(X):
    return pl.pallas_call(
        _d2_body,
        grid=(N // RB,),
        in_specs=[pl.BlockSpec((N, DIM), lambda i: (0, 0))],
        out_specs=[pl.BlockSpec((RB, N), lambda i: (i, 0)),
                   pl.BlockSpec((RB,), lambda i: (i,))],
        out_shape=[jax.ShapeDtypeStruct((N, N), jnp.float32),
                   jax.ShapeDtypeStruct((N,), jnp.float32)],
    )(X)



def _merge32(A, B, v):
    vs = lax.sort(v)
    lo = jnp.minimum(B, lax.rev(vs, (0,)))
    rlos = lax.rev(lax.sort(lo), (0,))
    A2 = lax.sort(jnp.minimum(A, rlos))
    B2 = lax.sort(jnp.maximum(A, rlos))
    return A2, B2


def _filter_row(rows, r, t, cand_v):
    tv = jnp.broadcast_to(t, (L,))

    def group_b(g, off):
        base = g * (4 * L)
        vs = [rows[r, pl.ds(base + k * L, L)] for k in range(4)]
        mn = jnp.minimum(jnp.minimum(vs[0], vs[1]),
                         jnp.minimum(vs[2], vs[3]))

        def slow(off):
            for vk in vs:
                mask = vk < tv
                plsc.store_compressed(cand_v.at[pl.ds(off, L)], vk, mask=mask)
                off = off + plsc.all_reduce_population_count(mask)[0]
            return off

        has = plsc.all_reduce_population_count(mn < tv)[0] > 0
        return lax.cond(has, slow, lambda o: o, off)

    return lax.fori_loop(0, N // (4 * L), group_b, 0)


def _select_raw(rows, r):
    v0 = lax.sort(rows[r, pl.ds(0, L)])
    rv1 = lax.rev(lax.sort(rows[r, pl.ds(L, L)]), (0,))
    A = lax.sort(jnp.minimum(v0, rv1))
    B = lax.sort(jnp.maximum(v0, rv1))

    def cb(i, carry):
        return _merge32(carry[0], carry[1], rows[r, pl.ds(i * L, L)])

    A, B = lax.fori_loop(2, N // L, cb, (A, B))
    a15 = jnp.max(A)
    lane = lax.iota(jnp.int32, L)
    b14 = jnp.max(jnp.where(lane < L - 1, B, -1.0))
    return a15, b14


def _select_stats(cand_v, m):
    inf_v = jnp.full((L,), BIG, jnp.float32)
    cand_v[pl.ds(m, L)] = inf_v
    cand_v[pl.ds(m + L, L)] = inf_v
    v0 = lax.sort(cand_v[pl.ds(0, L)])
    rv1 = lax.rev(lax.sort(cand_v[pl.ds(L, L)]), (0,))
    A = lax.sort(jnp.minimum(v0, rv1))
    B = lax.sort(jnp.maximum(v0, rv1))

    def chunk_body(i, carry):
        v = cand_v[pl.ds(i * L, L)]
        return _merge32(carry[0], carry[1], v)

    nch = (m + L - 1) // L
    A, B = lax.fori_loop(2, nch, chunk_body, (A, B))
    a15 = jnp.max(A)
    lane = lax.iota(jnp.int32, L)
    b14 = jnp.max(jnp.where(lane < L - 1, B, -1.0))
    return a15, b14


def _stats_body(d2_hbm, thr_hbm, a_hbm, b_hbm,
                rows0_v, rows1_v, cand_v, thr_v, a_v, b_v, sem0, sem1):
    wid = lax.axis_index("s") * NC + lax.axis_index("c")
    base = wid * RPW
    pltpu.sync_copy(thr_hbm.at[pl.ds(base, RPW)], thr_v)

    def copy(bi, buf_ref, sem):
        return pltpu.make_async_copy(
            d2_hbm.at[pl.ds(base + bi * SCB, SCB), :], buf_ref, sem)

    copy(0, rows0_v, sem0).start()

    def half(j, half_idx, buf_ref, acc):
        accA, accB = acc
        lane = lax.iota(jnp.int32, L)
        tvec = thr_v[pl.ds(j * L, L)]

        def row_body(r, acc):
            accA, accB = acc
            li = half_idx * SCB + r
            t = jnp.max(jnp.where(lane == li, tvec, -1.0))
            m = _filter_row(buf_ref, r, t, cand_v)
            a15, b14 = lax.cond(m >= KSEL,
                                lambda: _select_stats(cand_v, m),
                                lambda: _select_raw(buf_ref, r))
            accA = jnp.where(lane == li, a15, accA)
            accB = jnp.where(lane == li, b14, accB)
            return accA, accB

        return lax.fori_loop(0, SCB, row_body, (accA, accB))

    def pair_body(j, _):
        zero = jnp.zeros((L,), jnp.float32)
        copy(2 * j, rows0_v, sem0).wait()
        copy(2 * j + 1, rows1_v, sem1).start()
        acc = half(j, 0, rows0_v, (zero, zero))
        copy(2 * j + 1, rows1_v, sem1).wait()

        @pl.when(j + 1 < NBATCH // 2)
        def _():
            copy(2 * j + 2, rows0_v, sem0).start()

        accA, accB = half(j, 1, rows1_v, acc)
        a_v[pl.ds(j * L, L)] = accA
        b_v[pl.ds(j * L, L)] = accB
        return 0

    lax.fori_loop(0, NBATCH // 2, pair_body, 0)
    pltpu.sync_copy(a_v, a_hbm.at[pl.ds(base, RPW)])
    pltpu.sync_copy(b_v, b_hbm.at[pl.ds(base, RPW)])


def _row_stats(d2, thr):
    mesh = plsc.VectorSubcoreMesh(core_axis_name="c", subcore_axis_name="s")
    fn = functools.partial(
        pl.kernel, mesh=mesh,
        out_type=[jax.ShapeDtypeStruct((N,), jnp.float32),
                  jax.ShapeDtypeStruct((N,), jnp.float32)],
        scratch_types=[pltpu.VMEM((SCB, N), jnp.float32),
                       pltpu.VMEM((SCB, N), jnp.float32),
                       pltpu.VMEM((N + 2 * L,), jnp.float32),
                       pltpu.VMEM((RPW,), jnp.float32),
                       pltpu.VMEM((RPW,), jnp.float32),
                       pltpu.VMEM((RPW,), jnp.float32),
                       pltpu.SemaphoreType.DMA,
                       pltpu.SemaphoreType.DMA],
        compiler_params=pltpu.CompilerParams(needs_layout_passes=False),
    )(_stats_body)
    return fn(d2, thr)



def _w_body(d2_ref, a_ref, b_ref, out_ref):
    i = pl.program_id(0)
    d2 = d2_ref[...]
    a_full = a_ref[...]
    b_full = b_ref[...]
    a_r = a_ref[pl.ds(i * RB, RB)]
    b_r = b_ref[pl.ds(i * RB, RB)]

    def inv_s2(a):
        s = jnp.maximum(jnp.sqrt(a + 1e-12), 1e-7)
        return 1.0 / (s * s)

    wr = jnp.where(d2 <= b_r[:, None],
                   jnp.exp(-d2 * inv_s2(a_r)[:, None]), 0.0)
    wc = jnp.where(d2 <= b_full[None, :],
                   jnp.exp(-d2 * inv_s2(a_full)[None, :]), 0.0)
    out_ref[...] = 0.5 * (wr + wc)


def _affinity_out(d2, a, b):
    return pl.pallas_call(
        _w_body,
        grid=(N // RB,),
        in_specs=[pl.BlockSpec((RB, N), lambda i: (i, 0)),
                  pl.BlockSpec((N,), lambda i: (0,)),
                  pl.BlockSpec((N,), lambda i: (0,))],
        out_specs=pl.BlockSpec((RB, N), lambda i: (i, 0)),
        out_shape=jax.ShapeDtypeStruct((N, N), jnp.float32),
    )(d2, a, b)


def kernel(X):
    d2, thr = _pairwise_d2(X)
    a, b = _row_stats(d2, thr)
    return _affinity_out(d2, a, b)

# --- scband reference (transcript-rebuilt; emitter-appended) ---
"""Pipeline reference for scband-spectral-net-trainer-16621523436057 (READ-ONLY COPY).

The authoritative reference and input builder live on the scoring server;
editing this copy changes nothing except your own understanding.
"""

import jax, jax.numpy as jnp
import numpy as np

N_NBG = 30
SCALE_K = 15


def setup_inputs(seed: int = 0) -> dict:
    key = jax.random.key(seed)
    X = jax.random.normal(key, (4096, 16), dtype=jnp.float32)
    return {"X": X}


def _affinity(X):
    # Dx = cdist(X, X): squared-distance expansion, clamped and safe-sqrted
    sq = jnp.sum(X * X, axis=1)
    D2 = sq[:, None] + sq[None, :] - 2.0 * (X @ X.T)
    D2 = jnp.maximum(D2, 0.0)
    D = jnp.sqrt(D2 + 1e-12)
    # get_nearest_neighbors(X, k=n_nbg+1): k smallest distances + indices
    neg_vals, indices = jax.lax.top_k(-D, N_NBG + 1)
    Dis = -neg_vals
    # compute_scale(Dis, k=scale_k, is_local=True): per-point local scale (median of kNN dists)
    scale = jnp.maximum(jnp.median(Dis, axis=1), 1e-7)
    # get_gaussian_kernel: local-scale Gaussian kernel masked to kNN graph, symmetrized
    W = jnp.exp(-D2 / (scale[:, None] ** 2))
    n = X.shape[0]
    mask = jnp.zeros((n, n), dtype=W.dtype).at[jnp.arange(n)[:, None], indices].set(1.0)
    W = W * mask
    W = (W + W.T) / 2.0
    return W


def reference(X):
    # SpectralNetTrainer._get_affinity_matrix(X)
    return _affinity(X)

if __name__ == "__main__":
    import jax
    _d = setup_inputs()
    print(jax.jit(kernel)(*tuple(_d.values())))

</pallas_src>

<mosaic_0001>
#map = affine_map<(d0, d1) -> (0, 0)>
#map1 = affine_map<(d0, d1) -> (0)>
module attributes {stable_mosaic.version = 14 : i64} {
  func.func @_stats_body(%arg0: i32, %arg1: i32, %arg2: memref<4096x4096xf32, #tpu.memory_space<hbm>>, %arg3: memref<4096xf32, #tpu.memory_space<hbm>>, %arg4: memref<4096xf32, #tpu.memory_space<hbm>>, %arg5: memref<4096xf32, #tpu.memory_space<hbm>>, %arg6: memref<8x4096xf32, #tpu.memory_space<vmem>>, %arg7: memref<8x4096xf32, #tpu.memory_space<vmem>>, %arg8: memref<4128xf32, #tpu.memory_space<vmem>>, %arg9: memref<128xf32, #tpu.memory_space<vmem>>, %arg10: memref<128xf32, #tpu.memory_space<vmem>>, %arg11: memref<128xf32, #tpu.memory_space<vmem>>, %arg12: memref<!tpu.dma_semaphore, #tpu.memory_space<semaphore_mem>>, %arg13: memref<!tpu.dma_semaphore, #tpu.memory_space<semaphore_mem>>) attributes {dimension_semantics = [#tpu.dimension_semantics<core_parallel>, #tpu.dimension_semantics<subcore_parallel>], iteration_bounds = array<i64: 2, 16>, scalar_prefetch = 0 : i64, scratch_operands = 8 : i64, tpu.core_type = #tpu.core_type<sc_vector_subcore>, window_params = [{transform_indices = #map}, {transform_indices = #map1}, {transform_indices = #map1}, {transform_indices = #map1}]} {
    %mul3A = arith.constant 2 : i32
    %mul3A_0 = arith.muli %arg1, %mul3A : i32
    %add3A = arith.addi %mul3A_0, %arg0 : i32
    %mul3A_1 = arith.constant 128 : i32
    %mul3A_2 = arith.muli %add3A, %mul3A_1 : i32
    "tpu.region"() ({
      %run_scoped3A = tpu.sem_alloc : memref<!tpu.dma_semaphore, #tpu.memory_space<semaphore_mem>>
      %dma_start3A_14 = tpu.memref_slice %arg3[%mul3A_2] : memref<4096xf32, #tpu.memory_space<hbm>> -> memref<128xf32, #tpu.memory_space<hbm>>
      %dma_start3A_15 = tpu.memref_slice %arg3[%mul3A_2] : memref<4096xf32, #tpu.memory_space<hbm>> -> memref<128xf32, #tpu.memory_space<hbm>>
      tpu.enqueue_dma source(%dma_start3A_15 : memref<128xf32, #tpu.memory_space<hbm>>) target(%arg9 : memref<128xf32, #tpu.memory_space<vmem>>) target_semaphore(%run_scoped3A : memref<!tpu.dma_semaphore, #tpu.memory_space<semaphore_mem>>)
      %dma_wait3A = tpu.memref_slice %arg3[%mul3A_2] : memref<4096xf32, #tpu.memory_space<hbm>> -> memref<128xf32, #tpu.memory_space<hbm>>
      %dma_wait3A_16 = tpu.memref_slice %arg3[%mul3A_2] : memref<4096xf32, #tpu.memory_space<hbm>> -> memref<128xf32, #tpu.memory_space<hbm>>
      tpu.wait_dma2 semaphore(%run_scoped3A : memref<!tpu.dma_semaphore, #tpu.memory_space<semaphore_mem>>) src(%dma_wait3A_16 : memref<128xf32, #tpu.memory_space<hbm>>) dst(%arg9 : memref<128xf32, #tpu.memory_space<vmem>>)
      tpu.yield
    }) : () -> ()
    %add3A_3 = arith.constant 0 : i32
    %add3A_4 = arith.addi %mul3A_2, %add3A_3 : i32
    %dma_start3A = arith.constant 0 : i32
    %dma_start3A_5 = tpu.memref_slice %arg2[%add3A_4, %dma_start3A] : memref<4096x4096xf32, #tpu.memory_space<hbm>> -> memref<8x4096xf32, #tpu.memory_space<hbm>>
    %dma_start3A_6 = arith.constant 0 : i32
    %dma_start3A_7 = tpu.memref_slice %arg2[%add3A_4, %dma_start3A_6] : memref<4096x4096xf32, #tpu.memory_space<hbm>> -> memref<8x4096xf32, #tpu.memory_space<hbm>>
    tpu.enqueue_dma source(%dma_start3A_7 : memref<8x4096xf32, #tpu.memory_space<hbm>>) target(%arg6 : memref<8x4096xf32, #tpu.memory_space<vmem>>) target_semaphore(%arg12 : memref<!tpu.dma_semaphore, #tpu.memory_space<semaphore_mem>>)
    %scan3A = arith.constant 0 : i32
    %scan3A_8 = arith.constant 0 : i32
    %scan3A_9 = arith.constant 8 : i32
    %scan3A_10 = arith.addi %scan3A_8, %scan3A_9 : i32
    %scan3A_11 = arith.constant 1 : i32
    %scan3A_12 = scf.for %scan3A_14 = %scan3A_8 to %scan3A_10 step %scan3A_11 iter_args(%scan3A_15 = %scan3A) -> (i32)  : i32 {
      %broadcast_in_dim3A = arith.constant 0.000000e+00 : f32
      %broadcast_in_dim3A_16 = vector.broadcast %broadcast_in_dim3A : f32 to vector<16xf32>
      %mul3A_17 = arith.constant 2 : i32
      %mul3A_18 = arith.muli %mul3A_17, %scan3A_14 : i32
      %mul3A_19 = arith.constant 8 : i32
      %mul3A_20 = arith.muli %mul3A_18, %mul3A_19 : i32
      %add3A_21 = arith.addi %mul3A_2, %mul3A_20 : i32
      %dma_wait3A = arith.constant 0 : i32
      %dma_wait3A_22 = tpu.memref_slice %arg2[%add3A_21, %dma_wait3A] : memref<4096x4096xf32, #tpu.memory_space<hbm>> -> memref<8x4096xf32, #tpu.memory_space<hbm>>
      %dma_wait3A_23 = arith.constant 0 : i32
      %dma_wait3A_24 = tpu.memref_slice %arg2[%add3A_21, %dma_wait3A_23] : memref<4096x4096xf32, #tpu.memory_space<hbm>> -> memref<8x4096xf32, #tpu.memory_space<hbm>>
      tpu.wait_dma2 semaphore(%arg12 : memref<!tpu.dma_semaphore, #tpu.memory_space<semaphore_mem>>) src(%dma_wait3A_24 : memref<8x4096xf32, #tpu.memory_space<hbm>>) dst(%arg6 : memref<8x4096xf32, #tpu.memory_space<vmem>>)
      %mul3A_25 = arith.constant 2 : i32
      %mul3A_26 = arith.muli %mul3A_25, %scan3A_14 : i32
      %add3A_27 = arith.constant 1 : i32
      %add3A_28 = arith.addi %mul3A_26, %add3A_27 : i32
      %mul3A_29 = arith.constant 8 : i32
      %mul3A_30 = arith.muli %add3A_28, %mul3A_29 : i32
      %add3A_31 = arith.addi %mul3A_2, %mul3A_30 : i32
      %dma_start3A_32 = arith.constant 0 : i32
      %dma_start3A_33 = tpu.memref_slice %arg2[%add3A_31, %dma_start3A_32] : memref<4096x4096xf32, #tpu.memory_space<hbm>> -> memref<8x4096xf32, #tpu.memory_space<hbm>>
      %dma_start3A_34 = arith.constant 0 : i32
      %dma_start3A_35 = tpu.memref_slice %arg2[%add3A_31, %dma_start3A_34] : memref<4096x4096xf32, #tpu.memory_space<hbm>> -> memref<8x4096xf32, #tpu.memory_space<hbm>>
      tpu.enqueue_dma source(%dma_start3A_35 : memref<8x4096xf32, #tpu.memory_space<hbm>>) target(%arg7 : memref<8x4096xf32, #tpu.memory_space<vmem>>) target_semaphore(%arg13 : memref<!tpu.dma_semaphore, #tpu.memory_space<semaphore_mem>>)
      %iota3A = tpu.iota {dimensions = array<i32: 0>} : vector<16xi32>
      %mul3A_36 = arith.constant 16 : i32
      %mul3A_37 = arith.muli %scan3A_14, %mul3A_36 : i32
      %get3A = arith.index_cast %mul3A_37 : i32 to index
      %get3A_38 = tpu.vector_load %arg9[%get3A] {strides = array<i32>} : memref<128xf32, #tpu.memory_space<vmem>>, vector<16xf32>,
      %scan3A_39 = arith.constant 0 : i32
      %scan3A_40 = arith.constant 8 : i32
      %scan3A_41 = arith.addi %scan3A_39, %scan3A_40 : i32
      %scan3A_42 = arith.constant 1 : i32
      %scan3A_43:2 = scf.for %scan3A_79 = %scan3A_39 to %scan3A_41 step %scan3A_42 iter_args(%scan3A_80 = %broadcast_in_dim3A_16, %scan3A_81 = %broadcast_in_dim3A_16) -> (vector<16xf32>, vector<16xf32>)  : i32 {
        %add3A_82 = arith.constant 0 : i32
        %add3A_83 = arith.addi %add3A_82, %scan3A_79 : i32
        %eq3A = vector.broadcast %add3A_83 : i32 to vector<16xi32>
        %eq3A_84 = arith.cmpi eq, %iota3A, %eq3A : vector<16xi32>
        %jit3A = arith.constant -1.000000e+00 : f32
        %broadcast_in_dim3A_85 = vector.broadcast %jit3A : f32 to vector<16xf32>
        %select_n3A = arith.select %eq3A_84, %get3A_38, %broadcast_in_dim3A_85 : vector<16xi1>, vector<16xf32>
        %reduce_max3A = arith.constant true
        %reduce_max3A_86 = vector.broadcast %reduce_max3A : i1 to vector<16xi1>
        %reduce_max3A_87 = tpu.scan <max>, %select_n3A masked %reduce_max3A_86 : vector<16xf32>, vector<16xi1> -> vector<16xf32>
        %reduce_max3A_88 = vector.extract %reduce_max3A_87[15] : f32 from vector<16xf32>
        %broadcast_in_dim3A_89 = vector.broadcast %reduce_max3A_88 : f32 to vector<16xf32>
        %scan3A_90 = arith.constant 0 : i32
        %scan3A_91 = arith.constant 0 : i32
        %scan3A_92 = arith.constant 64 : i32
        %scan3A_93 = arith.addi %scan3A_91, %scan3A_92 : i32
        %scan3A_94 = arith.constant 1 : i32
        %scan3A_95 = scf.for %scan3A_110 = %scan3A_91 to %scan3A_93 step %scan3A_94 iter_args(%scan3A_111 = %scan3A_90) -> (i32)  : i32 {
          %mul3A_112 = arith.constant 64 : i32
          %mul3A_113 = arith.muli %scan3A_110, %mul3A_112 : i32
          %add3A_114 = arith.constant 0 : i32
          %add3A_115 = arith.addi %mul3A_113, %add3A_114 : i32
          %get3A_116 = arith.index_cast %scan3A_79 : i32 to index
          %get3A_117 = arith.index_cast %add3A_115 : i32 to index
          %get3A_118 = tpu.vector_load %arg6[%get3A_116, %get3A_117] {strides = array<i32>} : memref<8x4096xf32, #tpu.memory_space<vmem>>, vector<16xf32>,
          %add3A_119 = arith.constant 16 : i32
          %add3A_120 = arith.addi %mul3A_113, %add3A_119 : i32
          %get3A_121 = arith.index_cast %scan3A_79 : i32 to index
          %get3A_122 = arith.index_cast %add3A_120 : i32 to index
          %get3A_123 = tpu.vector_load %arg6[%get3A_121, %get3A_122] {strides = array<i32>} : memref<8x4096xf32, #tpu.memory_space<vmem>>, vector<16xf32>,
          %add3A_124 = arith.constant 32 : i32
          %add3A_125 = arith.addi %mul3A_113, %add3A_124 : i32
          %get3A_126 = arith.index_cast %scan3A_79 : i32 to index
          %get3A_127 = arith.index_cast %add3A_125 : i32 to index
          %get3A_128 = tpu.vector_load %arg6[%get3A_126, %get3A_127] {strides = array<i32>} : memref<8x4096xf32, #tpu.memory_space<vmem>>, vector<16xf32>,
          %add3A_129 = arith.constant 48 : i32
          %add3A_130 = arith.addi %mul3A_113, %add3A_129 : i32
          %get3A_131 = arith.index_cast %scan3A_79 : i32 to index
          %get3A_132 = arith.index_cast %add3A_130 : i32 to index
          %get3A_133 = tpu.vector_load %arg6[%get3A_131, %get3A_132] {strides = array<i32>} : memref<8x4096xf32, #tpu.memory_space<vmem>>, vector<16xf32>,
          %min3A = arith.minimumf %get3A_118, %get3A_123 : vector<16xf32>
          %min3A_134 = arith.minimumf %get3A_128, %get3A_133 : vector<16xf32>
          %min3A_135 = arith.minimumf %min3A, %min3A_134 : vector<16xf32>
          %lt3A_136 = arith.cmpf olt, %min3A_135, %broadcast_in_dim3A_89 : vector<16xf32>
          %all_reduce_population_count3A = tpu.all_reduce %lt3A_136 {dim = 0 : i64, kind = #tpu.reduction_kind<sum>} : vector<16xi1> -> vector<16xi32>
          %slice3A = vector.extract_strided_slice %all_reduce_population_count3A {offsets = [0], sizes = [1], strides = [1]} : vector<16xi32> to vector<1xi32>
          %squeeze3A = vector.extract %slice3A[0] : i32 from vector<1xi32>
          %gt3A = arith.constant 0 : i32
          %gt3A_137 = arith.cmpi sgt, %squeeze3A, %gt3A : i32
          %convert_element_type3A_138 = arith.extui %gt3A_137 : i1 to i32
          %cond3A_139 = arith.constant 0 : i32
          %cond3A_140 = arith.cmpi ne, %convert_element_type3A_138, %cond3A_139 : i32
          %cond3A_141 = scf.if %cond3A_140 -> (i32) {
            %lt3A_142 = arith.cmpf olt, %get3A_118, %broadcast_in_dim3A_89 : vector<16xf32>
            %swap3A_143 = arith.index_cast %scan3A_111 : i32 to index
            %swap3A_144 = tpu.vector_load %arg8[%swap3A_143] masked %lt3A_142 {strides = array<i32>} : memref<4128xf32, #tpu.memory_space<vmem>>, vector<16xf32>, vector<16xi1>
            tpu.vector_store %arg8[%swap3A_143], %get3A_118 masked %lt3A_142 {strides = array<i32>} : memref<4128xf32, #tpu.memory_space<vmem>>, vector<16xf32>, vector<16xi1>
            %all_reduce_population_count3A_145 = tpu.all_reduce %lt3A_142 {dim = 0 : i64, kind = #tpu.reduction_kind<sum>} : vector<16xi1> -> vector<16xi32>
            %slice3A_146 = vector.extract_strided_slice %all_reduce_population_count3A_145 {offsets = [0], sizes = [1], strides = [1]} : vector<16xi32> to vector<1xi32>
            %squeeze3A_147 = vector.extract %slice3A_146[0] : i32 from vector<1xi32>
            %add3A_148 = arith.addi %scan3A_111, %squeeze3A_147 : i32
            %lt3A_149 = arith.cmpf olt, %get3A_123, %broadcast_in_dim3A_89 : vector<16xf32>
            %swap3A_150 = arith.index_cast %add3A_148 : i32 to index
            %swap3A_151 = tpu.vector_load %arg8[%swap3A_150] masked %lt3A_149 {strides = array<i32>} : memref<4128xf32, #tpu.memory_space<vmem>>, vector<16xf32>, vector<16xi1>
            tpu.vector_store %arg8[%swap3A_150], %get3A_123 masked %lt3A_149 {strides = array<i32>} : memref<4128xf32, #tpu.memory_space<vmem>>, vector<16xf32>, vector<16xi1>
            %all_reduce_population_count3A_152 = tpu.all_reduce %lt3A_149 {dim = 0 : i64, kind = #tpu.reduction_kind<sum>} : vector<16xi1> -> vector<16xi32>
            %slice3A_153 = vector.extract_strided_slice %all_reduce_population_count3A_152 {offsets = [0], sizes = [1], strides = [1]} : vector<16xi32> to vector<1xi32>
            %squeeze3A_154 = vector.extract %slice3A_153[0] : i32 from vector<1xi32>
            %add3A_155 = arith.addi %add3A_148, %squeeze3A_154 : i32
            %lt3A_156 = arith.cmpf olt, %get3A_128, %broadcast_in_dim3A_89 : vector<16xf32>
            %swap3A_157 = arith.index_cast %add3A_155 : i32 to index
            %swap3A_158 = tpu.vector_load %arg8[%swap3A_157] masked %lt3A_156 {strides = array<i32>} : memref<4128xf32, #tpu.memory_space<vmem>>, vector<16xf32>, vector<16xi1>
            tpu.vector_store %arg8[%swap3A_157], %get3A_128 masked %lt3A_156 {strides = array<i32>} : memref<4128xf32, #tpu.memory_space<vmem>>, vector<16xf32>, vector<16xi1>
            %all_reduce_population_count3A_159 = tpu.all_reduce %lt3A_156 {dim = 0 : i64, kind = #tpu.reduction_kind<sum>} : vector<16xi1> -> vector<16xi32>
            %slice3A_160 = vector.extract_strided_slice %all_reduce_population_count3A_159 {offsets = [0], sizes = [1], strides = [1]} : vector<16xi32> to vector<1xi32>
            %squeeze3A_161 = vector.extract %slice3A_160[0] : i32 from vector<1xi32>
            %add3A_162 = arith.addi %add3A_155, %squeeze3A_161 : i32
            %lt3A_163 = arith.cmpf olt, %get3A_133, %broadcast_in_dim3A_89 : vector<16xf32>
            %swap3A_164 = arith.index_cast %add3A_162 : i32 to index
            %swap3A_165 = tpu.vector_load %arg8[%swap3A_164] masked %lt3A_163 {strides = array<i32>} : memref<4128xf32, #tpu.memory_space<vmem>>, vector<16xf32>, vector<16xi1>
            tpu.vector_store %arg8[%swap3A_164], %get3A_133 masked %lt3A_163 {strides = array<i32>} : memref<4128xf32, #tpu.memory_space<vmem>>, vector<16xf32>, vector<16xi1>
            %all_reduce_population_count3A_166 = tpu.all_reduce %lt3A_163 {dim = 0 : i64, kind = #tpu.reduction_kind<sum>} : vector<16xi1> -> vector<16xi32>
            %slice3A_167 = vector.extract_strided_slice %all_reduce_population_count3A_166 {offsets = [0], sizes = [1], strides = [1]} : vector<16xi32> to vector<1xi32>
            %squeeze3A_168 = vector.extract %slice3A_167[0] : i32 from vector<1xi32>
            %add3A_169 = arith.addi %add3A_162, %squeeze3A_168 : i32
            scf.yield %add3A_169 : i32
          } else {
            scf.yield %scan3A_111 : i32
          }
          scf.yield %cond3A_141 : i32
        }
        %scan3A_96 = arith.constant 64 : i32
        %ge3A = arith.constant 31 : i32
        %ge3A_97 = arith.cmpi sge, %scan3A_95, %ge3A : i32
        %convert_element_type3A_98 = arith.extui %ge3A_97 : i1 to i32
        %cond3A_99 = arith.constant 0 : i32
        %cond3A_100 = arith.cmpi ne, %convert_element_type3A_98, %cond3A_99 : i32
        %cond3A_101:2 = scf.if %cond3A_100 -> (f32, f32) {
          %broadcast_in_dim3A_110 = arith.constant 1.000000e+30 : f32
          %broadcast_in_dim3A_111 = vector.broadcast %broadcast_in_dim3A_110 : f32 to vector<16xf32>
          %swap3A_112 = arith.index_cast %scan3A_95 : i32 to index
          %swap3A_113 = tpu.vector_load %arg8[%swap3A_112] {strides = array<i32>} : memref<4128xf32, #tpu.memory_space<vmem>>, vector<16xf32>,
          tpu.vector_store %arg8[%swap3A_112], %broadcast_in_dim3A_111 {strides = array<i32>} : memref<4128xf32, #tpu.memory_space<vmem>>, vector<16xf32>,
          %add3A_114 = arith.constant 16 : i32
          %add3A_115 = arith.addi %scan3A_95, %add3A_114 : i32
          %swap3A_116 = arith.index_cast %add3A_115 : i32 to index
          %swap3A_117 = tpu.vector_load %arg8[%swap3A_116] {strides = array<i32>} : memref<4128xf32, #tpu.memory_space<vmem>>, vector<16xf32>,
          tpu.vector_store %arg8[%swap3A_116], %broadcast_in_dim3A_111 {strides = array<i32>} : memref<4128xf32, #tpu.memory_space<vmem>>, vector<16xf32>,
          %get3A_118 = arith.constant 0 : index
          %get3A_119 = tpu.vector_load %arg8[%get3A_118] {strides = array<i32>} : memref<4128xf32, #tpu.memory_space<vmem>>, vector<16xf32>,
          %sort3A = arith.constant dense<true> : vector<16xi1>
          %sort3A_120, %sort3A_121, %sort3A_122 = tpu.sort %get3A_119, %get3A_119 masked %sort3A : (vector<16xf32>, vector<16xf32>, vector<16xi1>) -> (vector<16xi1>, vector<16xf32>, vector<16xf32>)
          %get3A_123 = arith.constant 16 : index
          %get3A_124 = tpu.vector_load %arg8[%get3A_123] {strides = array<i32>} : memref<4128xf32, #tpu.memory_space<vmem>>, vector<16xf32>,
          %sort3A_125 = arith.constant dense<true> : vector<16xi1>
          %sort3A_126, %sort3A_127, %sort3A_128 = tpu.sort %get3A_124, %get3A_124 masked %sort3A_125 : (vector<16xf32>, vector<16xf32>, vector<16xi1>) -> (vector<16xi1>, vector<16xf32>, vector<16xf32>)
          %rev3A = arith.constant 15 : i32
          %rev3A_129 = vector.broadcast %rev3A : i32 to vector<16xi32>
          %rev3A_130 = tpu.iota {dimensions = array<i32: 0>} : vector<16xi32>
          %rev3A_131 = arith.subi %rev3A_129, %rev3A_130 : vector<16xi32>
          %rev3A_132 = tpu.dynamic_gather %sort3A_127[%rev3A_131] in [0] : vector<16xf32>, vector<16xi32> -> vector<16xf32>
          %min3A = arith.minimumf %sort3A_121, %rev3A_132 : vector<16xf32>
          %sort3A_133 = arith.constant dense<true> : vector<16xi1>
          %sort3A_134, %sort3A_135, %sort3A_136 = tpu.sort %min3A, %min3A masked %sort3A_133 : (vector<16xf32>, vector<16xf32>, vector<16xi1>) -> (vector<16xi1>, vector<16xf32>, vector<16xf32>)
          %max3A = arith.maximumf %sort3A_121, %rev3A_132 : vector<16xf32>
          %sort3A_137 = arith.constant dense<true> : vector<16xi1>
          %sort3A_138, %sort3A_139, %sort3A_140 = tpu.sort %max3A, %max3A masked %sort3A_137 : (vector<16xf32>, vector<16xf32>, vector<16xi1>) -> (vector<16xi1>, vector<16xf32>, vector<16xf32>)
          %add3A_141 = arith.constant 16 : i32
          %add3A_142 = arith.addi %scan3A_95, %add3A_141 : i32
          %sub3A = arith.constant 1 : i32
          %sub3A_143 = arith.subi %add3A_142, %sub3A : i32
          %jit3A_144 = arith.constant 16 : i32
          %div3A = arith.divsi %sub3A_143, %jit3A_144 : i32
          %sign3A = arith.constant 0 : i32
          %sign3A_145 = arith.cmpi sgt, %sub3A_143, %sign3A : i32
          %sign3A_146 = arith.extui %sign3A_145 : i1 to i32
          %sign3A_147 = arith.constant 0 : i32
          %sign3A_148 = arith.cmpi slt, %sub3A_143, %sign3A_147 : i32
          %sign3A_149 = arith.extui %sign3A_148 : i1 to i32
          %sign3A_150 = arith.subi %sign3A_146, %sign3A_149 : i32
          %sign3A_151 = arith.constant 0 : i32
          %sign3A_152 = arith.cmpi sgt, %jit3A_144, %sign3A_151 : i32
          %sign3A_153 = arith.extui %sign3A_152 : i1 to i32
          %sign3A_154 = arith.constant 0 : i32
          %sign3A_155 = arith.cmpi slt, %jit3A_144, %sign3A_154 : i32
          %sign3A_156 = arith.extui %sign3A_155 : i1 to i32
          %sign3A_157 = arith.subi %sign3A_153, %sign3A_156 : i32
          %ne3A = arith.cmpi ne, %sign3A_150, %sign3A_157 : i32
          %rem3A = arith.remsi %sub3A_143, %jit3A_144 : i32
          %ne3A_158 = arith.constant 0 : i32
          %ne3A_159 = arith.cmpi ne, %rem3A, %ne3A_158 : i32
          %and3A = arith.andi %ne3A, %ne3A_159 : i1
          %sub3A_160 = arith.constant 1 : i32
          %sub3A_161 = arith.subi %div3A, %sub3A_160 : i32
          %select_n3A_162 = arith.select %and3A, %sub3A_161, %div3A : i32
          %while3A = arith.constant 2 : i32
          %while3A_163 = arith.subi %select_n3A_162, %while3A : i32
          %while3A_164 = arith.addi %while3A, %while3A_163 : i32
          %while3A_165 = arith.constant 1 : i32
          %while3A_166 = arith.divsi %while3A_163, %while3A_165 : i32
          %while3A_167 = arith.muli %while3A_166, %while3A_165 : i32
          %while3A_168 = arith.addi %while3A, %while3A_167 : i32
          %while3A_169 = arith.constant 1 : i32
          %while3A_170:2 = scf.for %while3A_188 = %while3A to %while3A_168 step %while3A_169 iter_args(%while3A_189 = %sort3A_135, %while3A_190 = %sort3A_139) -> (vector<16xf32>, vector<16xf32>)  : i32 {
            %mul3A_191 = arith.constant 16 : i32
            %mul3A_192 = arith.muli %while3A_188, %mul3A_191 : i32
            %get3A_193 = arith.index_cast %mul3A_192 : i32 to index
            %get3A_194 = tpu.vector_load %arg8[%get3A_193] {strides = array<i32>} : memref<4128xf32, #tpu.memory_space<vmem>>, vector<16xf32>,
            %sort3A_195 = arith.constant dense<true> : vector<16xi1>
            %sort3A_196, %sort3A_197, %sort3A_198 = tpu.sort %get3A_194, %get3A_194 masked %sort3A_195 : (vector<16xf32>, vector<16xf32>, vector<16xi1>) -> (vector<16xi1>, vector<16xf32>, vector<16xf32>)
            %rev3A_199 = arith.constant 15 : i32
            %rev3A_200 = vector.broadcast %rev3A_199 : i32 to vector<16xi32>
            %rev3A_201 = tpu.iota {dimensions = array<i32: 0>} : vector<16xi32>
            %rev3A_202 = arith.subi %rev3A_200, %rev3A_201 : vector<16xi32>
            %rev3A_203 = tpu.dynamic_gather %sort3A_197[%rev3A_202] in [0] : vector<16xf32>, vector<16xi32> -> vector<16xf32>
            %min3A_204 = arith.minimumf %while3A_190, %rev3A_203 : vector<16xf32>
            %sort3A_205 = arith.constant dense<true> : vector<16xi1>
            %sort3A_206, %sort3A_207, %sort3A_208 = tpu.sort %min3A_204, %min3A_204 masked %sort3A_205 : (vector<16xf32>, vector<16xf32>, vector<16xi1>) -> (vector<16xi1>, vector<16xf32>, vector<16xf32>)
            %rev3A_209 = arith.constant 15 : i32
            %rev3A_210 = vector.broadcast %rev3A_209 : i32 to vector<16xi32>
            %rev3A_211 = tpu.iota {dimensions = array<i32: 0>} : vector<16xi32>
            %rev3A_212 = arith.subi %rev3A_210, %rev3A_211 : vector<16xi32>
            %rev3A_213 = tpu.dynamic_gather %sort3A_207[%rev3A_212] in [0] : vector<16xf32>, vector<16xi32> -> vector<16xf32>
            %min3A_214 = arith.minimumf %while3A_189, %rev3A_213 : vector<16xf32>
            %sort3A_215 = arith.constant dense<true> : vector<16xi1>
            %sort3A_216, %sort3A_217, %sort3A_218 = tpu.sort %min3A_214, %min3A_214 masked %sort3A_215 : (vector<16xf32>, vector<16xf32>, vector<16xi1>) -> (vector<16xi1>, vector<16xf32>, vector<16xf32>)
            %max3A_219 = arith.maximumf %while3A_189, %rev3A_213 : vector<16xf32>
            %sort3A_220 = arith.constant dense<true> : vector<16xi1>
            %sort3A_221, %sort3A_222, %sort3A_223 = tpu.sort %max3A_219, %max3A_219 masked %sort3A_220 : (vector<16xf32>, vector<16xf32>, vector<16xi1>) -> (vector<16xi1>, vector<16xf32>, vector<16xf32>)
            scf.yield %sort3A_217, %sort3A_222 : vector<16xf32>, vector<16xf32>
          }
          %while3A_171 = arith.constant 1 : i32
          %while3A_172:2 = scf.for %while3A_188 = %while3A_168 to %while3A_164 step %while3A_171 iter_args(%while3A_189 = %while3A_170#0, %while3A_190 = %while3A_170#1) -> (vector<16xf32>, vector<16xf32>)  : i32 {
            %mul3A_191 = arith.constant 16 : i32
            %mul3A_192 = arith.muli %while3A_188, %mul3A_191 : i32
            %get3A_193 = arith.index_cast %mul3A_192 : i32 to index
            %get3A_194 = tpu.vector_load %arg8[%get3A_193] {strides = array<i32>} : memref<4128xf32, #tpu.memory_space<vmem>>, vector<16xf32>,
            %sort3A_195 = arith.constant dense<true> : vector<16xi1>
            %sort3A_196, %sort3A_197, %sort3A_198 = tpu.sort %get3A_194, %get3A_194 masked %sort3A_195 : (vector<16xf32>, vector<16xf32>, vector<16xi1>) -> (vector<16xi1>, vector<16xf32>, vector<16xf32>)
            %rev3A_199 = arith.constant 15 : i32
            %rev3A_200 = vector.broadcast %rev3A_199 : i32 to vector<16xi32>
            %rev3A_201 = tpu.iota {dimensions = array<i32: 0>} : vector<16xi32>
            %rev3A_202 = arith.subi %rev3A_200, %rev3A_201 : vector<16xi32>
            %rev3A_203 = tpu.dynamic_gather %sort3A_197[%rev3A_202] in [0] : vector<16xf32>, vector<16xi32> -> vector<16xf32>
            %min3A_204 = arith.minimumf %while3A_190, %rev3A_203 : vector<16xf32>
            %sort3A_205 = arith.constant dense<true> : vector<16xi1>
            %sort3A_206, %sort3A_207, %sort3A_208 = tpu.sort %min3A_204, %min3A_204 masked %sort3A_205 : (vector<16xf32>, vector<16xf32>, vector<16xi1>) -> (vector<16xi1>, vector<16xf32>, vector<16xf32>)
            %rev3A_209 = arith.constant 15 : i32
            %rev3A_210 = vector.broadcast %rev3A_209 : i32 to vector<16xi32>
            %rev3A_211 = tpu.iota {dimensions = array<i32: 0>} : vector<16xi32>
            %rev3A_212 = arith.subi %rev3A_210, %rev3A_211 : vector<16xi32>
            %rev3A_213 = tpu.dynamic_gather %sort3A_207[%rev3A_212] in [0] : vector<16xf32>, vector<16xi32> -> vector<16xf32>
            %min3A_214 = arith.minimumf %while3A_189, %rev3A_213 : vector<16xf32>
            %sort3A_215 = arith.constant dense<true> : vector<16xi1>
            %sort3A_216, %sort3A_217, %sort3A_218 = tpu.sort %min3A_214, %min3A_214 masked %sort3A_215 : (vector<16xf32>, vector<16xf32>, vector<16xi1>) -> (vector<16xi1>, vector<16xf32>, vector<16xf32>)
            %max3A_219 = arith.maximumf %while3A_189, %rev3A_213 : vector<16xf32>
            %sort3A_220 = arith.constant dense<true> : vector<16xi1>
            %sort3A_221, %sort3A_222, %sort3A_223 = tpu.sort %max3A_219, %max3A_219 masked %sort3A_220 : (vector<16xf32>, vector<16xf32>, vector<16xi1>) -> (vector<16xi1>, vector<16xf32>, vector<16xf32>)
            scf.yield %sort3A_217, %sort3A_222 : vector<16xf32>, vector<16xf32>
          }
          %reduce_max3A_173 = arith.constant true
          %reduce_max3A_174 = vector.broadcast %reduce_max3A_173 : i1 to vector<16xi1>
          %reduce_max3A_175 = tpu.scan <max>, %while3A_172#0 masked %reduce_max3A_174 : vector<16xf32>, vector<16xi1> -> vector<16xf32>
          %reduce_max3A_176 = vector.extract %reduce_max3A_175[15] : f32 from vector<16xf32>
          %iota3A_177 = tpu.iota {dimensions = array<i32: 0>} : vector<16xi32>
          %lt3A_178 = arith.constant 15 : i32
          %lt3A_179 = vector.broadcast %lt3A_178 : i32 to vector<16xi32>
          %lt3A_180 = arith.cmpi slt, %iota3A_177, %lt3A_179 : vector<16xi32>
          %jit3A_181 = arith.constant -1.000000e+00 : f32
          %broadcast_in_dim3A_182 = vector.broadcast %jit3A_181 : f32 to vector<16xf32>
          %select_n3A_183 = arith.select %lt3A_180, %while3A_172#1, %broadcast_in_dim3A_182 : vector<16xi1>, vector<16xf32>
          %reduce_max3A_184 = arith.constant true
          %reduce_max3A_185 = vector.broadcast %reduce_max3A_184 : i1 to vector<16xi1>
          %reduce_max3A_186 = tpu.scan <max>, %select_n3A_183 masked %reduce_max3A_185 : vector<16xf32>, vector<16xi1> -> vector<16xf32>
          %reduce_max3A_187 = vector.extract %reduce_max3A_186[15] : f32 from vector<16xf32>
          scf.yield %reduce_max3A_176, %reduce_max3A_187 : f32, f32
        } else {
          %get3A_110 = arith.index_cast %scan3A_79 : i32 to index
          %get3A_111 = arith.constant 0 : index
          %get3A_112 = tpu.vector_load %arg6[%get3A_110, %get3A_111] {strides = array<i32>} : memref<8x4096xf32, #tpu.memory_space<vmem>>, vector<16xf32>,
          %sort3A = arith.constant dense<true> : vector<16xi1>
          %sort3A_113, %sort3A_114, %sort3A_115 = tpu.sort %get3A_112, %get3A_112 masked %sort3A : (vector<16xf32>, vector<16xf32>, vector<16xi1>) -> (vector<16xi1>, vector<16xf32>, vector<16xf32>)
          %get3A_116 = arith.index_cast %scan3A_79 : i32 to index
          %get3A_117 = arith.constant 16 : index
          %get3A_118 = tpu.vector_load %arg6[%get3A_116, %get3A_117] {strides = array<i32>} : memref<8x4096xf32, #tpu.memory_space<vmem>>, vector<16xf32>,
          %sort3A_119 = arith.constant dense<true> : vector<16xi1>
          %sort3A_120, %sort3A_121, %sort3A_122 = tpu.sort %get3A_118, %get3A_118 masked %sort3A_119 : (vector<16xf32>, vector<16xf32>, vector<16xi1>) -> (vector<16xi1>, vector<16xf32>, vector<16xf32>)
          %rev3A = arith.constant 15 : i32
          %rev3A_123 = vector.broadcast %rev3A : i32 to vector<16xi32>
          %rev3A_124 = tpu.iota {dimensions = array<i32: 0>} : vector<16xi32>
          %rev3A_125 = arith.subi %rev3A_123, %rev3A_124 : vector<16xi32>
          %rev3A_126 = tpu.dynamic_gather %sort3A_121[%rev3A_125] in [0] : vector<16xf32>, vector<16xi32> -> vector<16xf32>
          %min3A = arith.minimumf %sort3A_114, %rev3A_126 : vector<16xf32>
          %sort3A_127 = arith.constant dense<true> : vector<16xi1>
          %sort3A_128, %sort3A_129, %sort3A_130 = tpu.sort %min3A, %min3A masked %sort3A_127 : (vector<16xf32>, vector<16xf32>, vector<16xi1>) -> (vector<16xi1>, vector<16xf32>, vector<16xf32>)
          %max3A = arith.maximumf %sort3A_114, %rev3A_126 : vector<16xf32>
          %sort3A_131 = arith.constant dense<true> : vector<16xi1>
          %sort3A_132, %sort3A_133, %sort3A_134 = tpu.sort %max3A, %max3A masked %sort3A_131 : (vector<16xf32>, vector<16xf32>, vector<16xi1>) -> (vector<16xi1>, vector<16xf32>, vector<16xf32>)
          %scan3A_135 = arith.constant 2 : i32
          %scan3A_136 = arith.constant 254 : i32
          %scan3A_137 = arith.addi %scan3A_135, %scan3A_136 : i32
          %scan3A_138 = arith.constant 1 : i32
          %scan3A_139:2 = scf.for %scan3A_156 = %scan3A_135 to %scan3A_137 step %scan3A_138 iter_args(%scan3A_157 = %sort3A_129, %scan3A_158 = %sort3A_133) -> (vector<16xf32>, vector<16xf32>)  : i32 {
            %mul3A_159 = arith.constant 16 : i32
            %mul3A_160 = arith.muli %scan3A_156, %mul3A_159 : i32
            %get3A_161 = arith.index_cast %scan3A_79 : i32 to index
            %get3A_162 = arith.index_cast %mul3A_160 : i32 to index
            %get3A_163 = tpu.vector_load %arg6[%get3A_161, %get3A_162] {strides = array<i32>} : memref<8x4096xf32, #tpu.memory_space<vmem>>, vector<16xf32>,
            %sort3A_164 = arith.constant dense<true> : vector<16xi1>
            %sort3A_165, %sort3A_166, %sort3A_167 = tpu.sort %get3A_163, %get3A_163 masked %sort3A_164 : (vector<16xf32>, vector<16xf32>, vector<16xi1>) -> (vector<16xi1>, vector<16xf32>, vector<16xf32>)
            %rev3A_168 = arith.constant 15 : i32
            %rev3A_169 = vector.broadcast %rev3A_168 : i32 to vector<16xi32>
            %rev3A_170 = tpu.iota {dimensions = array<i32: 0>} : vector<16xi32>
            %rev3A_171 = arith.subi %rev3A_169, %rev3A_170 : vector<16xi32>
            %rev3A_172 = tpu.dynamic_gather %sort3A_166[%rev3A_171] in [0] : vector<16xf32>, vector<16xi32> -> vector<16xf32>
            %min3A_173 = arith.minimumf %scan3A_158, %rev3A_172 : vector<16xf32>
            %sort3A_174 = arith.constant dense<true> : vector<16xi1>
            %sort3A_175, %sort3A_176, %sort3A_177 = tpu.sort %min3A_173, %min3A_173 masked %sort3A_174 : (vector<16xf32>, vector<16xf32>, vector<16xi1>) -> (vector<16xi1>, vector<16xf32>, vector<16xf32>)
            %rev3A_178 = arith.constant 15 : i32
            %rev3A_179 = vector.broadcast %rev3A_178 : i32 to vector<16xi32>
            %rev3A_180 = tpu.iota {dimensions = array<i32: 0>} : vector<16xi32>
            %rev3A_181 = arith.subi %rev3A_179, %rev3A_180 : vector<16xi32>
            %rev3A_182 = tpu.dynamic_gather %sort3A_176[%rev3A_181] in [0] : vector<16xf32>, vector<16xi32> -> vector<16xf32>
            %min3A_183 = arith.minimumf %scan3A_157, %rev3A_182 : vector<16xf32>
            %sort3A_184 = arith.constant dense<true> : vector<16xi1>
            %sort3A_185, %sort3A_186, %sort3A_187 = tpu.sort %min3A_183, %min3A_183 masked %sort3A_184 : (vector<16xf32>, vector<16xf32>, vector<16xi1>) -> (vector<16xi1>, vector<16xf32>, vector<16xf32>)
            %max3A_188 = arith.maximumf %scan3A_157, %rev3A_182 : vector<16xf32>
            %sort3A_189 = arith.constant dense<true> : vector<16xi1>
            %sort3A_190, %sort3A_191, %sort3A_192 = tpu.sort %max3A_188, %max3A_188 masked %sort3A_189 : (vector<16xf32>, vector<16xf32>, vector<16xi1>) -> (vector<16xi1>, vector<16xf32>, vector<16xf32>)
            scf.yield %sort3A_186, %sort3A_191 : vector<16xf32>, vector<16xf32>
          }
          %scan3A_140 = arith.constant 254 : i32
          %reduce_max3A_141 = arith.constant true
          %reduce_max3A_142 = vector.broadcast %reduce_max3A_141 : i1 to vector<16xi1>
          %reduce_max3A_143 = tpu.scan <max>, %scan3A_139#0 masked %reduce_max3A_142 : vector<16xf32>, vector<16xi1> -> vector<16xf32>
          %reduce_max3A_144 = vector.extract %reduce_max3A_143[15] : f32 from vector<16xf32>
          %iota3A_145 = tpu.iota {dimensions = array<i32: 0>} : vector<16xi32>
          %lt3A_146 = arith.constant 15 : i32
          %lt3A_147 = vector.broadcast %lt3A_146 : i32 to vector<16xi32>
          %lt3A_148 = arith.cmpi slt, %iota3A_145, %lt3A_147 : vector<16xi32>
          %jit3A_149 = arith.constant -1.000000e+00 : f32
          %broadcast_in_dim3A_150 = vector.broadcast %jit3A_149 : f32 to vector<16xf32>
          %select_n3A_151 = arith.select %lt3A_148, %scan3A_139#1, %broadcast_in_dim3A_150 : vector<16xi1>, vector<16xf32>
          %reduce_max3A_152 = arith.constant true
          %reduce_max3A_153 = vector.broadcast %reduce_max3A_152 : i1 to vector<16xi1>
          %reduce_max3A_154 = tpu.scan <max>, %select_n3A_151 masked %reduce_max3A_153 : vector<16xf32>, vector<16xi1> -> vector<16xf32>
          %reduce_max3A_155 = vector.extract %reduce_max3A_154[15] : f32 from vector<16xf32>
          scf.yield %reduce_max3A_144, %reduce_max3A_155 : f32, f32
        }
        %eq3A_102 = vector.broadcast %add3A_83 : i32 to vector<16xi32>
        %eq3A_103 = arith.cmpi eq, %iota3A, %eq3A_102 : vector<16xi32>
        %broadcast_in_dim3A_104 = vector.broadcast %cond3A_101#0 : f32 to vector<16xf32>
        %select_n3A_105 = arith.select %eq3A_103, %broadcast_in_dim3A_104, %scan3A_80 : vector<16xi1>, vector<16xf32>
        %eq3A_106 = vector.broadcast %add3A_83 : i32 to vector<16xi32>
        %eq3A_107 = arith.cmpi eq, %iota3A, %eq3A_106 : vector<16xi32>
        %broadcast_in_dim3A_108 = vector.broadcast %cond3A_101#1 : f32 to vector<16xf32>
        %select_n3A_109 = arith.select %eq3A_107, %broadcast_in_dim3A_108, %scan3A_81 : vector<16xi1>, vector<16xf32>
        scf.yield %select_n3A_105, %select_n3A_109 : vector<16xf32>, vector<16xf32>
      }
      %scan3A_44 = arith.constant 8 : i32
      %mul3A_45 = arith.constant 2 : i32
      %mul3A_46 = arith.muli %mul3A_45, %scan3A_14 : i32
      %add3A_47 = arith.constant 1 : i32
      %add3A_48 = arith.addi %mul3A_46, %add3A_47 : i32
      %mul3A_49 = arith.constant 8 : i32
      %mul3A_50 = arith.muli %add3A_48, %mul3A_49 : i32
      %add3A_51 = arith.addi %mul3A_2, %mul3A_50 : i32
      %dma_wait3A_52 = arith.constant 0 : i32
      %dma_wait3A_53 = tpu.memref_slice %arg2[%add3A_51, %dma_wait3A_52] : memref<4096x4096xf32, #tpu.memory_space<hbm>> -> memref<8x4096xf32, #tpu.memory_space<hbm>>
      %dma_wait3A_54 = arith.constant 0 : i32
      %dma_wait3A_55 = tpu.memref_slice %arg2[%add3A_51, %dma_wait3A_54] : memref<4096x4096xf32, #tpu.memory_space<hbm>> -> memref<8x4096xf32, #tpu.memory_space<hbm>>
      tpu.wait_dma2 semaphore(%arg13 : memref<!tpu.dma_semaphore, #tpu.memory_space<semaphore_mem>>) src(%dma_wait3A_55 : memref<8x4096xf32, #tpu.memory_space<hbm>>) dst(%arg7 : memref<8x4096xf32, #tpu.memory_space<vmem>>)
      %add3A_56 = arith.constant 1 : i32
      %add3A_57 = arith.addi %scan3A_14, %add3A_56 : i32
      %lt3A = arith.constant 8 : i32
      %lt3A_58 = arith.cmpi slt, %add3A_57, %lt3A : i32
      %convert_element_type3A = arith.extui %lt3A_58 : i1 to i32
      %cond3A = arith.constant 0 : i32
      %cond3A_59 = arith.cmpi ne, %convert_element_type3A, %cond3A : i32
      scf.if %cond3A_59 {
        %mul3A_79 = arith.constant 2 : i32
        %mul3A_80 = arith.muli %mul3A_79, %scan3A_14 : i32
        %add3A_81 = arith.constant 2 : i32
        %add3A_82 = arith.addi %mul3A_80, %add3A_81 : i32
        %mul3A_83 = arith.constant 8 : i32
        %mul3A_84 = arith.muli %add3A_82, %mul3A_83 : i32
        %add3A_85 = arith.addi %mul3A_2, %mul3A_84 : i32
        %dma_start3A_86 = arith.constant 0 : i32
        %dma_start3A_87 = tpu.memref_slice %arg2[%add3A_85, %dma_start3A_86] : memref<4096x4096xf32, #tpu.memory_space<hbm>> -> memref<8x4096xf32, #tpu.memory_space<hbm>>
        %dma_start3A_88 = arith.constant 0 : i32
        %dma_start3A_89 = tpu.memref_slice %arg2[%add3A_85, %dma_start3A_88] : memref<4096x4096xf32, #tpu.memory_space<hbm>> -> memref<8x4096xf32, #tpu.memory_space<hbm>>
        tpu.enqueue_dma source(%dma_start3A_89 : memref<8x4096xf32, #tpu.memory_space<hbm>>) target(%arg6 : memref<8x4096xf32, #tpu.memory_space<vmem>>) target_semaphore(%arg12 : memref<!tpu.dma_semaphore, #tpu.memory_space<semaphore_mem>>)
      } else {
      }
      %iota3A_60 = tpu.iota {dimensions = array<i32: 0>} : vector<16xi32>
      %mul3A_61 = arith.constant 16 : i32
      %mul3A_62 = arith.muli %scan3A_14, %mul3A_61 : i32
      %get3A_63 = arith.index_cast %mul3A_62 : i32 to index
      %get3A_64 = tpu.vector_load %arg9[%get3A_63] {strides = array<i32>} : memref<128xf32, #tpu.memory_space<vmem>>, vector<16xf32>,
      %scan3A_65 = arith.constant 0 : i32
      %scan3A_66 = arith.constant 8 : i32
      %scan3A_67 = arith.addi %scan3A_65, %scan3A_66 : i32
      %scan3A_68 = arith.constant 1 : i32
      %scan3A_69:2 = scf.for %scan3A_79 = %scan3A_65 to %scan3A_67 step %scan3A_68 iter_args(%scan3A_80 = %scan3A_43#0, %scan3A_81 = %scan3A_43#1) -> (vector<16xf32>, vector<16xf32>)  : i32 {
        %add3A_82 = arith.constant 8 : i32
        %add3A_83 = arith.addi %add3A_82, %scan3A_79 : i32
        %eq3A = vector.broadcast %add3A_83 : i32 to vector<16xi32>
        %eq3A_84 = arith.cmpi eq, %iota3A_60, %eq3A : vector<16xi32>
        %jit3A = arith.constant -1.000000e+00 : f32
        %broadcast_in_dim3A_85 = vector.broadcast %jit3A : f32 to vector<16xf32>
        %select_n3A = arith.select %eq3A_84, %get3A_64, %broadcast_in_dim3A_85 : vector<16xi1>, vector<16xf32>
        %reduce_max3A = arith.constant true
        %reduce_max3A_86 = vector.broadcast %reduce_max3A : i1 to vector<16xi1>
        %reduce_max3A_87 = tpu.scan <max>, %select_n3A masked %reduce_max3A_86 : vector<16xf32>, vector<16xi1> -> vector<16xf32>
        %reduce_max3A_88 = vector.extract %reduce_max3A_87[15] : f32 from vector<16xf32>
        %broadcast_in_dim3A_89 = vector.broadcast %reduce_max3A_88 : f32 to vector<16xf32>
        %scan3A_90 = arith.constant 0 : i32
        %scan3A_91 = arith.constant 0 : i32
        %scan3A_92 = arith.constant 64 : i32
        %scan3A_93 = arith.addi %scan3A_91, %scan3A_92 : i32
        %scan3A_94 = arith.constant 1 : i32
        %scan3A_95 = scf.for %scan3A_110 = %scan3A_91 to %scan3A_93 step %scan3A_94 iter_args(%scan3A_111 = %scan3A_90) -> (i32)  : i32 {
          %mul3A_112 = arith.constant 64 : i32
          %mul3A_113 = arith.muli %scan3A_110, %mul3A_112 : i32
          %add3A_114 = arith.constant 0 : i32
          %add3A_115 = arith.addi %mul3A_113, %add3A_114 : i32
          %get3A_116 = arith.index_cast %scan3A_79 : i32 to index
          %get3A_117 = arith.index_cast %add3A_115 : i32 to index
          %get3A_118 = tpu.vector_load %arg7[%get3A_116, %get3A_117] {strides = array<i32>} : memref<8x4096xf32, #tpu.memory_space<vmem>>, vector<16xf32>,
          %add3A_119 = arith.constant 16 : i32
          %add3A_120 = arith.addi %mul3A_113, %add3A_119 : i32
          %get3A_121 = arith.index_cast %scan3A_79 : i32 to index
          %get3A_122 = arith.index_cast %add3A_120 : i32 to index
          %get3A_123 = tpu.vector_load %arg7[%get3A_121, %get3A_122] {strides = array<i32>} : memref<8x4096xf32, #tpu.memory_space<vmem>>, vector<16xf32>,
          %add3A_124 = arith.constant 32 : i32
          %add3A_125 = arith.addi %mul3A_113, %add3A_124 : i32
          %get3A_126 = arith.index_cast %scan3A_79 : i32 to index
          %get3A_127 = arith.index_cast %add3A_125 : i32 to index
          %get3A_128 = tpu.vector_load %arg7[%get3A_126, %get3A_127] {strides = array<i32>} : memref<8x4096xf32, #tpu.memory_space<vmem>>, vector<16xf32>,
          %add3A_129 = arith.constant 48 : i32
          %add3A_130 = arith.addi %mul3A_113, %add3A_129 : i32
          %get3A_131 = arith.index_cast %scan3A_79 : i32 to index
          %get3A_132 = arith.index_cast %add3A_130 : i32 to index
          %get3A_133 = tpu.vector_load %arg7[%get3A_131, %get3A_132] {strides = array<i32>} : memref<8x4096xf32, #tpu.memory_space<vmem>>, vector<16xf32>,
          %min3A = arith.minimumf %get3A_118, %get3A_123 : vector<16xf32>
          %min3A_134 = arith.minimumf %get3A_128, %get3A_133 : vector<16xf32>
          %min3A_135 = arith.minimumf %min3A, %min3A_134 : vector<16xf32>
          %lt3A_136 = arith.cmpf olt, %min3A_135, %broadcast_in_dim3A_89 : vector<16xf32>
          %all_reduce_population_count3A = tpu.all_reduce %lt3A_136 {dim = 0 : i64, kind = #tpu.reduction_kind<sum>} : vector<16xi1> -> vector<16xi32>
          %slice3A = vector.extract_strided_slice %all_reduce_population_count3A {offsets = [0], sizes = [1], strides = [1]} : vector<16xi32> to vector<1xi32>
          %squeeze3A = vector.extract %slice3A[0] : i32 from vector<1xi32>
          %gt3A = arith.constant 0 : i32
          %gt3A_137 = arith.cmpi sgt, %squeeze3A, %gt3A : i32
          %convert_element_type3A_138 = arith.extui %gt3A_137 : i1 to i32
          %cond3A_139 = arith.constant 0 : i32
          %cond3A_140 = arith.cmpi ne, %convert_element_type3A_138, %cond3A_139 : i32
          %cond3A_141 = scf.if %cond3A_140 -> (i32) {
            %lt3A_142 = arith.cmpf olt, %get3A_118, %broadcast_in_dim3A_89 : vector<16xf32>
            %swap3A_143 = arith.index_cast %scan3A_111 : i32 to index
            %swap3A_144 = tpu.vector_load %arg8[%swap3A_143] masked %lt3A_142 {strides = array<i32>} : memref<4128xf32, #tpu.memory_space<vmem>>, vector<16xf32>, vector<16xi1>
            tpu.vector_store %arg8[%swap3A_143], %get3A_118 masked %lt3A_142 {strides = array<i32>} : memref<4128xf32, #tpu.memory_space<vmem>>, vector<16xf32>, vector<16xi1>
            %all_reduce_population_count3A_145 = tpu.all_reduce %lt3A_142 {dim = 0 : i64, kind = #tpu.reduction_kind<sum>} : vector<16xi1> -> vector<16xi32>
            %slice3A_146 = vector.extract_strided_slice %all_reduce_population_count3A_145 {offsets = [0], sizes = [1], strides = [1]} : vector<16xi32> to vector<1xi32>
            %squeeze3A_147 = vector.extract %slice3A_146[0] : i32 from vector<1xi32>
            %add3A_148 = arith.addi %scan3A_111, %squeeze3A_147 : i32
            %lt3A_149 = arith.cmpf olt, %get3A_123, %broadcast_in_dim3A_89 : vector<16xf32>
            %swap3A_150 = arith.index_cast %add3A_148 : i32 to index
            %swap3A_151 = tpu.vector_load %arg8[%swap3A_150] masked %lt3A_149 {strides = array<i32>} : memref<4128xf32, #tpu.memory_space<vmem>>, vector<16xf32>, vector<16xi1>
            tpu.vector_store %arg8[%swap3A_150], %get3A_123 masked %lt3A_149 {strides = array<i32>} : memref<4128xf32, #tpu.memory_space<vmem>>, vector<16xf32>, vector<16xi1>
            %all_reduce_population_count3A_152 = tpu.all_reduce %lt3A_149 {dim = 0 : i64, kind = #tpu.reduction_kind<sum>} : vector<16xi1> -> vector<16xi32>
            %slice3A_153 = vector.extract_strided_slice %all_reduce_population_count3A_152 {offsets = [0], sizes = [1], strides = [1]} : vector<16xi32> to vector<1xi32>
            %squeeze3A_154 = vector.extract %slice3A_153[0] : i32 from vector<1xi32>
            %add3A_155 = arith.addi %add3A_148, %squeeze3A_154 : i32
            %lt3A_156 = arith.cmpf olt, %get3A_128, %broadcast_in_dim3A_89 : vector<16xf32>
            %swap3A_157 = arith.index_cast %add3A_155 : i32 to index
            %swap3A_158 = tpu.vector_load %arg8[%swap3A_157] masked %lt3A_156 {strides = array<i32>} : memref<4128xf32, #tpu.memory_space<vmem>>, vector<16xf32>, vector<16xi1>
            tpu.vector_store %arg8[%swap3A_157], %get3A_128 masked %lt3A_156 {strides = array<i32>} : memref<4128xf32, #tpu.memory_space<vmem>>, vector<16xf32>, vector<16xi1>
            %all_reduce_population_count3A_159 = tpu.all_reduce %lt3A_156 {dim = 0 : i64, kind = #tpu.reduction_kind<sum>} : vector<16xi1> -> vector<16xi32>
            %slice3A_160 = vector.extract_strided_slice %all_reduce_population_count3A_159 {offsets = [0], sizes = [1], strides = [1]} : vector<16xi32> to vector<1xi32>
            %squeeze3A_161 = vector.extract %slice3A_160[0] : i32 from vector<1xi32>
            %add3A_162 = arith.addi %add3A_155, %squeeze3A_161 : i32
            %lt3A_163 = arith.cmpf olt, %get3A_133, %broadcast_in_dim3A_89 : vector<16xf32>
            %swap3A_164 = arith.index_cast %add3A_162 : i32 to index
            %swap3A_165 = tpu.vector_load %arg8[%swap3A_164] masked %lt3A_163 {strides = array<i32>} : memref<4128xf32, #tpu.memory_space<vmem>>, vector<16xf32>, vector<16xi1>
            tpu.vector_store %arg8[%swap3A_164], %get3A_133 masked %lt3A_163 {strides = array<i32>} : memref<4128xf32, #tpu.memory_space<vmem>>, vector<16xf32>, vector<16xi1>
            %all_reduce_population_count3A_166 = tpu.all_reduce %lt3A_163 {dim = 0 : i64, kind = #tpu.reduction_kind<sum>} : vector<16xi1> -> vector<16xi32>
            %slice3A_167 = vector.extract_strided_slice %all_reduce_population_count3A_166 {offsets = [0], sizes = [1], strides = [1]} : vector<16xi32> to vector<1xi32>
            %squeeze3A_168 = vector.extract %slice3A_167[0] : i32 from vector<1xi32>
            %add3A_169 = arith.addi %add3A_162, %squeeze3A_168 : i32
            scf.yield %add3A_169 : i32
          } else {
            scf.yield %scan3A_111 : i32
          }
          scf.yield %cond3A_141 : i32
        }
        %scan3A_96 = arith.constant 64 : i32
        %ge3A = arith.constant 31 : i32
        %ge3A_97 = arith.cmpi sge, %scan3A_95, %ge3A : i32
        %convert_element_type3A_98 = arith.extui %ge3A_97 : i1 to i32
        %cond3A_99 = arith.constant 0 : i32
        %cond3A_100 = arith.cmpi ne, %convert_element_type3A_98, %cond3A_99 : i32
        %cond3A_101:2 = scf.if %cond3A_100 -> (f32, f32) {
          %broadcast_in_dim3A_110 = arith.constant 1.000000e+30 : f32
          %broadcast_in_dim3A_111 = vector.broadcast %broadcast_in_dim3A_110 : f32 to vector<16xf32>
          %swap3A_112 = arith.index_cast %scan3A_95 : i32 to index
          %swap3A_113 = tpu.vector_load %arg8[%swap3A_112] {strides = array<i32>} : memref<4128xf32, #tpu.memory_space<vmem>>, vector<16xf32>,
          tpu.vector_store %arg8[%swap3A_112], %broadcast_in_dim3A_111 {strides = array<i32>} : memref<4128xf32, #tpu.memory_space<vmem>>, vector<16xf32>,
          %add3A_114 = arith.constant 16 : i32
          %add3A_115 = arith.addi %scan3A_95, %add3A_114 : i32
          %swap3A_116 = arith.index_cast %add3A_115 : i32 to index
          %swap3A_117 = tpu.vector_load %arg8[%swap3A_116] {strides = array<i32>} : memref<4128xf32, #tpu.memory_space<vmem>>, vector<16xf32>,
          tpu.vector_store %arg8[%swap3A_116], %broadcast_in_dim3A_111 {strides = array<i32>} : memref<4128xf32, #tpu.memory_space<vmem>>, vector<16xf32>,
          %get3A_118 = arith.constant 0 : index
          %get3A_119 = tpu.vector_load %arg8[%get3A_118] {strides = array<i32>} : memref<4128xf32, #tpu.memory_space<vmem>>, vector<16xf32>,
          %sort3A = arith.constant dense<true> : vector<16xi1>
          %sort3A_120, %sort3A_121, %sort3A_122 = tpu.sort %get3A_119, %get3A_119 masked %sort3A : (vector<16xf32>, vector<16xf32>, vector<16xi1>) -> (vector<16xi1>, vector<16xf32>, vector<16xf32>)
          %get3A_123 = arith.constant 16 : index
          %get3A_124 = tpu.vector_load %arg8[%get3A_123] {strides = array<i32>} : memref<4128xf32, #tpu.memory_space<vmem>>, vector<16xf32>,
          %sort3A_125 = arith.constant dense<true> : vector<16xi1>
          %sort3A_126, %sort3A_127, %sort3A_128 = tpu.sort %get3A_124, %get3A_124 masked %sort3A_125 : (vector<16xf32>, vector<16xf32>, vector<16xi1>) -> (vector<16xi1>, vector<16xf32>, vector<16xf32>)
          %rev3A = arith.constant 15 : i32
          %rev3A_129 = vector.broadcast %rev3A : i32 to vector<16xi32>
          %rev3A_130 = tpu.iota {dimensions = array<i32: 0>} : vector<16xi32>
          %rev3A_131 = arith.subi %rev3A_129, %rev3A_130 : vector<16xi32>
          %rev3A_132 = tpu.dynamic_gather %sort3A_127[%rev3A_131] in [0] : vector<16xf32>, vector<16xi32> -> vector<16xf32>
          %min3A = arith.minimumf %sort3A_121, %rev3A_132 : vector<16xf32>
          %sort3A_133 = arith.constant dense<true> : vector<16xi1>
          %sort3A_134, %sort3A_135, %sort3A_136 = tpu.sort %min3A, %min3A masked %sort3A_133 : (vector<16xf32>, vector<16xf32>, vector<16xi1>) -> (vector<16xi1>, vector<16xf32>, vector<16xf32>)
          %max3A = arith.maximumf %sort3A_121, %rev3A_132 : vector<16xf32>
          %sort3A_137 = arith.constant dense<true> : vector<16xi1>
          %sort3A_138, %sort3A_139, %sort3A_140 = tpu.sort %max3A, %max3A masked %sort3A_137 : (vector<16xf32>, vector<16xf32>, vector<16xi1>) -> (vector<16xi1>, vector<16xf32>, vector<16xf32>)
          %add3A_141 = arith.constant 16 : i32
          %add3A_142 = arith.addi %scan3A_95, %add3A_141 : i32
          %sub3A = arith.constant 1 : i32
          %sub3A_143 = arith.subi %add3A_142, %sub3A : i32
          %jit3A_144 = arith.constant 16 : i32
          %div3A = arith.divsi %sub3A_143, %jit3A_144 : i32
          %sign3A = arith.constant 0 : i32
          %sign3A_145 = arith.cmpi sgt, %sub3A_143, %sign3A : i32
          %sign3A_146 = arith.extui %sign3A_145 : i1 to i32
          %sign3A_147 = arith.constant 0 : i32
          %sign3A_148 = arith.cmpi slt, %sub3A_143, %sign3A_147 : i32
          %sign3A_149 = arith.extui %sign3A_148 : i1 to i32
          %sign3A_150 = arith.subi %sign3A_146, %sign3A_149 : i32
          %sign3A_151 = arith.constant 0 : i32
          %sign3A_152 = arith.cmpi sgt, %jit3A_144, %sign3A_151 : i32
          %sign3A_153 = arith.extui %sign3A_152 : i1 to i32
          %sign3A_154 = arith.constant 0 : i32
          %sign3A_155 = arith.cmpi slt, %jit3A_144, %sign3A_154 : i32
          %sign3A_156 = arith.extui %sign3A_155 : i1 to i32
          %sign3A_157 = arith.subi %sign3A_153, %sign3A_156 : i32
          %ne3A = arith.cmpi ne, %sign3A_150, %sign3A_157 : i32
          %rem3A = arith.remsi %sub3A_143, %jit3A_144 : i32
          %ne3A_158 = arith.constant 0 : i32
          %ne3A_159 = arith.cmpi ne, %rem3A, %ne3A_158 : i32
          %and3A = arith.andi %ne3A, %ne3A_159 : i1
          %sub3A_160 = arith.constant 1 : i32
          %sub3A_161 = arith.subi %div3A, %sub3A_160 : i32
          %select_n3A_162 = arith.select %and3A, %sub3A_161, %div3A : i32
          %while3A = arith.constant 2 : i32
          %while3A_163 = arith.subi %select_n3A_162, %while3A : i32
          %while3A_164 = arith.addi %while3A, %while3A_163 : i32
          %while3A_165 = arith.constant 1 : i32
          %while3A_166 = arith.divsi %while3A_163, %while3A_165 : i32
          %while3A_167 = arith.muli %while3A_166, %while3A_165 : i32
          %while3A_168 = arith.addi %while3A, %while3A_167 : i32
          %while3A_169 = arith.constant 1 : i32
          %while3A_170:2 = scf.for %while3A_188 = %while3A to %while3A_168 step %while3A_169 iter_args(%while3A_189 = %sort3A_135, %while3A_190 = %sort3A_139) -> (vector<16xf32>, vector<16xf32>)  : i32 {
            %mul3A_191 = arith.constant 16 : i32
            %mul3A_192 = arith.muli %while3A_188, %mul3A_191 : i32
            %get3A_193 = arith.index_cast %mul3A_192 : i32 to index
            %get3A_194 = tpu.vector_load %arg8[%get3A_193] {strides = array<i32>} : memref<4128xf32, #tpu.memory_space<vmem>>, vector<16xf32>,
            %sort3A_195 = arith.constant dense<true> : vector<16xi1>
            %sort3A_196, %sort3A_197, %sort3A_198 = tpu.sort %get3A_194, %get3A_194 masked %sort3A_195 : (vector<16xf32>, vector<16xf32>, vector<16xi1>) -> (vector<16xi1>, vector<16xf32>, vector<16xf32>)
            %rev3A_199 = arith.constant 15 : i32
            %rev3A_200 = vector.broadcast %rev3A_199 : i32 to vector<16xi32>
            %rev3A_201 = tpu.iota {dimensions = array<i32: 0>} : vector<16xi32>
            %rev3A_202 = arith.subi %rev3A_200, %rev3A_201 : vector<16xi32>
            %rev3A_203 = tpu.dynamic_gather %sort3A_197[%rev3A_202] in [0] : vector<16xf32>, vector<16xi32> -> vector<16xf32>
            %min3A_204 = arith.minimumf %while3A_190, %rev3A_203 : vector<16xf32>
            %sort3A_205 = arith.constant dense<true> : vector<16xi1>
            %sort3A_206, %sort3A_207, %sort3A_208 = tpu.sort %min3A_204, %min3A_204 masked %sort3A_205 : (vector<16xf32>, vector<16xf32>, vector<16xi1>) -> (vector<16xi1>, vector<16xf32>, vector<16xf32>)
            %rev3A_209 = arith.constant 15 : i32
            %rev3A_210 = vector.broadcast %rev3A_209 : i32 to vector<16xi32>
            %rev3A_211 = tpu.iota {dimensions = array<i32: 0>} : vector<16xi32>
            %rev3A_212 = arith.subi %rev3A_210, %rev3A_211 : vector<16xi32>
            %rev3A_213 = tpu.dynamic_gather %sort3A_207[%rev3A_212] in [0] : vector<16xf32>, vector<16xi32> -> vector<16xf32>
            %min3A_214 = arith.minimumf %while3A_189, %rev3A_213 : vector<16xf32>
            %sort3A_215 = arith.constant dense<true> : vector<16xi1>
            %sort3A_216, %sort3A_217, %sort3A_218 = tpu.sort %min3A_214, %min3A_214 masked %sort3A_215 : (vector<16xf32>, vector<16xf32>, vector<16xi1>) -> (vector<16xi1>, vector<16xf32>, vector<16xf32>)
            %max3A_219 = arith.maximumf %while3A_189, %rev3A_213 : vector<16xf32>
            %sort3A_220 = arith.constant dense<true> : vector<16xi1>
            %sort3A_221, %sort3A_222, %sort3A_223 = tpu.sort %max3A_219, %max3A_219 masked %sort3A_220 : (vector<16xf32>, vector<16xf32>, vector<16xi1>) -> (vector<16xi1>, vector<16xf32>, vector<16xf32>)
            scf.yield %sort3A_217, %sort3A_222 : vector<16xf32>, vector<16xf32>
          }
          %while3A_171 = arith.constant 1 : i32
          %while3A_172:2 = scf.for %while3A_188 = %while3A_168 to %while3A_164 step %while3A_171 iter_args(%while3A_189 = %while3A_170#0, %while3A_190 = %while3A_170#1) -> (vector<16xf32>, vector<16xf32>)  : i32 {
            %mul3A_191 = arith.constant 16 : i32
            %mul3A_192 = arith.muli %while3A_188, %mul3A_191 : i32
            %get3A_193 = arith.index_cast %mul3A_192 : i32 to index
            %get3A_194 = tpu.vector_load %arg8[%get3A_193] {strides = array<i32>} : memref<4128xf32, #tpu.memory_space<vmem>>, vector<16xf32>,
            %sort3A_195 = arith.constant dense<true> : vector<16xi1>
            %sort3A_196, %sort3A_197, %sort3A_198 = tpu.sort %get3A_194, %get3A_194 masked %sort3A_195 : (vector<16xf32>, vector<16xf32>, vector<16xi1>) -> (vector<16xi1>, vector<16xf32>, vector<16xf32>)
            %rev3A_199 = arith.constant 15 : i32
            %rev3A_200 = vector.broadcast %rev3A_199 : i32 to vector<16xi32>
            %rev3A_201 = tpu.iota {dimensions = array<i32: 0>} : vector<16xi32>
            %rev3A_202 = arith.subi %rev3A_200, %rev3A_201 : vector<16xi32>
            %rev3A_203 = tpu.dynamic_gather %sort3A_197[%rev3A_202] in [0] : vector<16xf32>, vector<16xi32> -> vector<16xf32>
            %min3A_204 = arith.minimumf %while3A_190, %rev3A_203 : vector<16xf32>
            %sort3A_205 = arith.constant dense<true> : vector<16xi1>
            %sort3A_206, %sort3A_207, %sort3A_208 = tpu.sort %min3A_204, %min3A_204 masked %sort3A_205 : (vector<16xf32>, vector<16xf32>, vector<16xi1>) -> (vector<16xi1>, vector<16xf32>, vector<16xf32>)
            %rev3A_209 = arith.constant 15 : i32
            %rev3A_210 = vector.broadcast %rev3A_209 : i32 to vector<16xi32>
            %rev3A_211 = tpu.iota {dimensions = array<i32: 0>} : vector<16xi32>
            %rev3A_212 = arith.subi %rev3A_210, %rev3A_211 : vector<16xi32>
            %rev3A_213 = tpu.dynamic_gather %sort3A_207[%rev3A_212] in [0] : vector<16xf32>, vector<16xi32> -> vector<16xf32>
            %min3A_214 = arith.minimumf %while3A_189, %rev3A_213 : vector<16xf32>
            %sort3A_215 = arith.constant dense<true> : vector<16xi1>
            %sort3A_216, %sort3A_217, %sort3A_218 = tpu.sort %min3A_214, %min3A_214 masked %sort3A_215 : (vector<16xf32>, vector<16xf32>, vector<16xi1>) -> (vector<16xi1>, vector<16xf32>, vector<16xf32>)
            %max3A_219 = arith.maximumf %while3A_189, %rev3A_213 : vector<16xf32>
            %sort3A_220 = arith.constant dense<true> : vector<16xi1>
            %sort3A_221, %sort3A_222, %sort3A_223 = tpu.sort %max3A_219, %max3A_219 masked %sort3A_220 : (vector<16xf32>, vector<16xf32>, vector<16xi1>) -> (vector<16xi1>, vector<16xf32>, vector<16xf32>)
            scf.yield %sort3A_217, %sort3A_222 : vector<16xf32>, vector<16xf32>
          }
          %reduce_max3A_173 = arith.constant true
          %reduce_max3A_174 = vector.broadcast %reduce_max3A_173 : i1 to vector<16xi1>
          %reduce_max3A_175 = tpu.scan <max>, %while3A_172#0 masked %reduce_max3A_174 : vector<16xf32>, vector<16xi1> -> vector<16xf32>
          %reduce_max3A_176 = vector.extract %reduce_max3A_175[15] : f32 from vector<16xf32>
          %iota3A_177 = tpu.iota {dimensions = array<i32: 0>} : vector<16xi32>
          %lt3A_178 = arith.constant 15 : i32
          %lt3A_179 = vector.broadcast %lt3A_178 : i32 to vector<16xi32>
          %lt3A_180 = arith.cmpi slt, %iota3A_177, %lt3A_179 : vector<16xi32>
          %jit3A_181 = arith.constant -1.000000e+00 : f32
          %broadcast_in_dim3A_182 = vector.broadcast %jit3A_181 : f32 to vector<16xf32>
          %select_n3A_183 = arith.select %lt3A_180, %while3A_172#1, %broadcast_in_dim3A_182 : vector<16xi1>, vector<16xf32>
          %reduce_max3A_184 = arith.constant true
          %reduce_max3A_185 = vector.broadcast %reduce_max3A_184 : i1 to vector<16xi1>
          %reduce_max3A_186 = tpu.scan <max>, %select_n3A_183 masked %reduce_max3A_185 : vector<16xf32>, vector<16xi1> -> vector<16xf32>
          %reduce_max3A_187 = vector.extract %reduce_max3A_186[15] : f32 from vector<16xf32>
          scf.yield %reduce_max3A_176, %reduce_max3A_187 : f32, f32
        } else {
          %get3A_110 = arith.index_cast %scan3A_79 : i32 to index
          %get3A_111 = arith.constant 0 : index
          %get3A_112 = tpu.vector_load %arg7[%get3A_110, %get3A_111] {strides = array<i32>} : memref<8x4096xf32, #tpu.memory_space<vmem>>, vector<16xf32>,
          %sort3A = arith.constant dense<true> : vector<16xi1>
          %sort3A_113, %sort3A_114, %sort3A_115 = tpu.sort %get3A_112, %get3A_112 masked %sort3A : (vector<16xf32>, vector<16xf32>, vector<16xi1>) -> (vector<16xi1>, vector<16xf32>, vector<16xf32>)
          %get3A_116 = arith.index_cast %scan3A_79 : i32 to index
          %get3A_117 = arith.constant 16 : index
          %get3A_118 = tpu.vector_load %arg7[%get3A_116, %get3A_117] {strides = array<i32>} : memref<8x4096xf32, #tpu.memory_space<vmem>>, vector<16xf32>,
          %sort3A_119 = arith.constant dense<true> : vector<16xi1>
          %sort3A_120, %sort3A_121, %sort3A_122 = tpu.sort %get3A_118, %get3A_118 masked %sort3A_119 : (vector<16xf32>, vector<16xf32>, vector<16xi1>) -> (vector<16xi1>, vector<16xf32>, vector<16xf32>)
          %rev3A = arith.constant 15 : i32
          %rev3A_123 = vector.broadcast %rev3A : i32 to vector<16xi32>
          %rev3A_124 = tpu.iota {dimensions = array<i32: 0>} : vector<16xi32>
          %rev3A_125 = arith.subi %rev3A_123, %rev3A_124 : vector<16xi32>
          %rev3A_126 = tpu.dynamic_gather %sort3A_121[%rev3A_125] in [0] : vector<16xf32>, vector<16xi32> -> vector<16xf32>
          %min3A = arith.minimumf %sort3A_114, %rev3A_126 : vector<16xf32>
          %sort3A_127 = arith.constant dense<true> : vector<16xi1>
          %sort3A_128, %sort3A_129, %sort3A_130 = tpu.sort %min3A, %min3A masked %sort3A_127 : (vector<16xf32>, vector<16xf32>, vector<16xi1>) -> (vector<16xi1>, vector<16xf32>, vector<16xf32>)
          %max3A = arith.maximumf %sort3A_114, %rev3A_126 : vector<16xf32>
          %sort3A_131 = arith.constant dense<true> : vector<16xi1>
          %sort3A_132, %sort3A_133, %sort3A_134 = tpu.sort %max3A, %max3A masked %sort3A_131 : (vector<16xf32>, vector<16xf32>, vector<16xi1>) -> (vector<16xi1>, vector<16xf32>, vector<16xf32>)
          %scan3A_135 = arith.constant 2 : i32
          %scan3A_136 = arith.constant 254 : i32
          %scan3A_137 = arith.addi %scan3A_135, %scan3A_136 : i32
          %scan3A_138 = arith.constant 1 : i32
          %scan3A_139:2 = scf.for %scan3A_156 = %scan3A_135 to %scan3A_137 step %scan3A_138 iter_args(%scan3A_157 = %sort3A_129, %scan3A_158 = %sort3A_133) -> (vector<16xf32>, vector<16xf32>)  : i32 {
            %mul3A_159 = arith.constant 16 : i32
            %mul3A_160 = arith.muli %scan3A_156, %mul3A_159 : i32
            %get3A_161 = arith.index_cast %scan3A_79 : i32 to index
            %get3A_162 = arith.index_cast %mul3A_160 : i32 to index
            %get3A_163 = tpu.vector_load %arg7[%get3A_161, %get3A_162] {strides = array<i32>} : memref<8x4096xf32, #tpu.memory_space<vmem>>, vector<16xf32>,
            %sort3A_164 = arith.constant dense<true> : vector<16xi1>
            %sort3A_165, %sort3A_166, %sort3A_167 = tpu.sort %get3A_163, %get3A_163 masked %sort3A_164 : (vector<16xf32>, vector<16xf32>, vector<16xi1>) -> (vector<16xi1>, vector<16xf32>, vector<16xf32>)
            %rev3A_168 = arith.constant 15 : i32
            %rev3A_169 = vector.broadcast %rev3A_168 : i32 to vector<16xi32>
            %rev3A_170 = tpu.iota {dimensions = array<i32: 0>} : vector<16xi32>
            %rev3A_171 = arith.subi %rev3A_169, %rev3A_170 : vector<16xi32>
            %rev3A_172 = tpu.dynamic_gather %sort3A_166[%rev3A_171] in [0] : vector<16xf32>, vector<16xi32> -> vector<16xf32>
            %min3A_173 = arith.minimumf %scan3A_158, %rev3A_172 : vector<16xf32>
            %sort3A_174 = arith.constant dense<true> : vector<16xi1>
            %sort3A_175, %sort3A_176, %sort3A_177 = tpu.sort %min3A_173, %min3A_173 masked %sort3A_174 : (vector<16xf32>, vector<16xf32>, vector<16xi1>) -> (vector<16xi1>, vector<16xf32>, vector<16xf32>)
            %rev3A_178 = arith.constant 15 : i32
            %rev3A_179 = vector.broadcast %rev3A_178 : i32 to vector<16xi32>
            %rev3A_180 = tpu.iota {dimensions = array<i32: 0>} : vector<16xi32>
            %rev3A_181 = arith.subi %rev3A_179, %rev3A_180 : vector<16xi32>
            %rev3A_182 = tpu.dynamic_gather %sort3A_176[%rev3A_181] in [0] : vector<16xf32>, vector<16xi32> -> vector<16xf32>
            %min3A_183 = arith.minimumf %scan3A_157, %rev3A_182 : vector<16xf32>
            %sort3A_184 = arith.constant dense<true> : vector<16xi1>
            %sort3A_185, %sort3A_186, %sort3A_187 = tpu.sort %min3A_183, %min3A_183 masked %sort3A_184 : (vector<16xf32>, vector<16xf32>, vector<16xi1>) -> (vector<16xi1>, vector<16xf32>, vector<16xf32>)
            %max3A_188 = arith.maximumf %scan3A_157, %rev3A_182 : vector<16xf32>
            %sort3A_189 = arith.constant dense<true> : vector<16xi1>
            %sort3A_190, %sort3A_191, %sort3A_192 = tpu.sort %max3A_188, %max3A_188 masked %sort3A_189 : (vector<16xf32>, vector<16xf32>, vector<16xi1>) -> (vector<16xi1>, vector<16xf32>, vector<16xf32>)
            scf.yield %sort3A_186, %sort3A_191 : vector<16xf32>, vector<16xf32>
          }
          %scan3A_140 = arith.constant 254 : i32
          %reduce_max3A_141 = arith.constant true
          %reduce_max3A_142 = vector.broadcast %reduce_max3A_141 : i1 to vector<16xi1>
          %reduce_max3A_143 = tpu.scan <max>, %scan3A_139#0 masked %reduce_max3A_142 : vector<16xf32>, vector<16xi1> -> vector<16xf32>
          %reduce_max3A_144 = vector.extract %reduce_max3A_143[15] : f32 from vector<16xf32>
          %iota3A_145 = tpu.iota {dimensions = array<i32: 0>} : vector<16xi32>
          %lt3A_146 = arith.constant 15 : i32
          %lt3A_147 = vector.broadcast %lt3A_146 : i32 to vector<16xi32>
          %lt3A_148 = arith.cmpi slt, %iota3A_145, %lt3A_147 : vector<16xi32>
          %jit3A_149 = arith.constant -1.000000e+00 : f32
          %broadcast_in_dim3A_150 = vector.broadcast %jit3A_149 : f32 to vector<16xf32>
          %select_n3A_151 = arith.select %lt3A_148, %scan3A_139#1, %broadcast_in_dim3A_150 : vector<16xi1>, vector<16xf32>
          %reduce_max3A_152 = arith.constant true
          %reduce_max3A_153 = vector.broadcast %reduce_max3A_152 : i1 to vector<16xi1>
          %reduce_max3A_154 = tpu.scan <max>, %select_n3A_151 masked %reduce_max3A_153 : vector<16xf32>, vector<16xi1> -> vector<16xf32>
          %reduce_max3A_155 = vector.extract %reduce_max3A_154[15] : f32 from vector<16xf32>
          scf.yield %reduce_max3A_144, %reduce_max3A_155 : f32, f32
        }
        %eq3A_102 = vector.broadcast %add3A_83 : i32 to vector<16xi32>
        %eq3A_103 = arith.cmpi eq, %iota3A_60, %eq3A_102 : vector<16xi32>
        %broadcast_in_dim3A_104 = vector.broadcast %cond3A_101#0 : f32 to vector<16xf32>
        %select_n3A_105 = arith.select %eq3A_103, %broadcast_in_dim3A_104, %scan3A_80 : vector<16xi1>, vector<16xf32>
        %eq3A_106 = vector.broadcast %add3A_83 : i32 to vector<16xi32>
        %eq3A_107 = arith.cmpi eq, %iota3A_60, %eq3A_106 : vector<16xi32>
        %broadcast_in_dim3A_108 = vector.broadcast %cond3A_101#1 : f32 to vector<16xf32>
        %select_n3A_109 = arith.select %eq3A_107, %broadcast_in_dim3A_108, %scan3A_81 : vector<16xi1>, vector<16xf32>
        scf.yield %select_n3A_105, %select_n3A_109 : vector<16xf32>, vector<16xf32>
      }
      %scan3A_70 = arith.constant 8 : i32
      %mul3A_71 = arith.constant 16 : i32
      %mul3A_72 = arith.muli %scan3A_14, %mul3A_71 : i32
      %swap3A = arith.index_cast %mul3A_72 : i32 to index
      %swap3A_73 = tpu.vector_load %arg10[%swap3A] {strides = array<i32>} : memref<128xf32, #tpu.memory_space<vmem>>, vector<16xf32>,
      tpu.vector_store %arg10[%swap3A], %scan3A_69#0 {strides = array<i32>} : memref<128xf32, #tpu.memory_space<vmem>>, vector<16xf32>,
      %mul3A_74 = arith.constant 16 : i32
      %mul3A_75 = arith.muli %scan3A_14, %mul3A_74 : i32
      %swap3A_76 = arith.index_cast %mul3A_75 : i32 to index
      %swap3A_77 = tpu.vector_load %arg11[%swap3A_76] {strides = array<i32>} : memref<128xf32, #tpu.memory_space<vmem>>, vector<16xf32>,
      tpu.vector_store %arg11[%swap3A_76], %scan3A_69#1 {strides = array<i32>} : memref<128xf32, #tpu.memory_space<vmem>>, vector<16xf32>,
      %scan3A_78 = arith.constant 0 : i32
      scf.yield %scan3A_78 : i32
    }
    %scan3A_13 = arith.constant 8 : i32
    "tpu.region"() ({
      %run_scoped3A = tpu.sem_alloc : memref<!tpu.dma_semaphore, #tpu.memory_space<semaphore_mem>>
      %dma_start3A_14 = tpu.memref_slice %arg4[%mul3A_2] : memref<4096xf32, #tpu.memory_space<hbm>> -> memref<128xf32, #tpu.memory_space<hbm>>
      %dma_start3A_15 = tpu.memref_slice %arg4[%mul3A_2] : memref<4096xf32, #tpu.memory_space<hbm>> -> memref<128xf32, #tpu.memory_space<hbm>>
      tpu.enqueue_dma source(%arg10 : memref<128xf32, #tpu.memory_space<vmem>>) target(%dma_start3A_15 : memref<128xf32, #tpu.memory_space<hbm>>) target_semaphore(%run_scoped3A : memref<!tpu.dma_semaphore, #tpu.memory_space<semaphore_mem>>)
      %dma_wait3A = tpu.memref_slice %arg4[%mul3A_2] : memref<4096xf32, #tpu.memory_space<hbm>> -> memref<128xf32, #tpu.memory_space<hbm>>
      %dma_wait3A_16 = tpu.memref_slice %arg4[%mul3A_2] : memref<4096xf32, #tpu.memory_space<hbm>> -> memref<128xf32, #tpu.memory_space<hbm>>
      tpu.wait_dma2 semaphore(%run_scoped3A : memref<!tpu.dma_semaphore, #tpu.memory_space<semaphore_mem>>) src(%arg10 : memref<128xf32, #tpu.memory_space<vmem>>) dst(%dma_wait3A_16 : memref<128xf32, #tpu.memory_space<hbm>>)
      tpu.yield
    }) : () -> ()
    "tpu.region"() ({
      %run_scoped3A = tpu.sem_alloc : memref<!tpu.dma_semaphore, #tpu.memory_space<semaphore_mem>>
      %dma_start3A_14 = tpu.memref_slice %arg5[%mul3A_2] : memref<4096xf32, #tpu.memory_space<hbm>> -> memref<128xf32, #tpu.memory_space<hbm>>
      %dma_start3A_15 = tpu.memref_slice %arg5[%mul3A_2] : memref<4096xf32, #tpu.memory_space<hbm>> -> memref<128xf32, #tpu.memory_space<hbm>>
      tpu.enqueue_dma source(%arg11 : memref<128xf32, #tpu.memory_space<vmem>>) target(%dma_start3A_15 : memref<128xf32, #tpu.memory_space<hbm>>) target_semaphore(%run_scoped3A : memref<!tpu.dma_semaphore, #tpu.memory_space<semaphore_mem>>)
      %dma_wait3A = tpu.memref_slice %arg5[%mul3A_2] : memref<4096xf32, #tpu.memory_space<hbm>> -> memref<128xf32, #tpu.memory_space<hbm>>
      %dma_wait3A_16 = tpu.memref_slice %arg5[%mul3A_2] : memref<4096xf32, #tpu.memory_space<hbm>> -> memref<128xf32, #tpu.memory_space<hbm>>
      tpu.wait_dma2 semaphore(%run_scoped3A : memref<!tpu.dma_semaphore, #tpu.memory_space<semaphore_mem>>) src(%arg11 : memref<128xf32, #tpu.memory_space<vmem>>) dst(%dma_wait3A_16 : memref<128xf32, #tpu.memory_space<hbm>>)
      tpu.yield
    }) : () -> ()
    return
  }
}

module attributes {stable_mosaic.version = 14 : i64} {
  func.func @_d2_body(%arg0: i32, %arg1: memref<4096x16xf32, #tpu.memory_space<vmem>>, %arg2: memref<256x4096xf32, #tpu.memory_space<vmem>>, %arg3: memref<256xf32, #tpu.memory_space<vmem>>) attributes {dimension_semantics = [#tpu.dimension_semantics<arbitrary>], iteration_bounds = array<i64: 16>, scalar_prefetch = 0 : i64, scratch_operands = 0 : i64, tpu.core_type = #tpu.core_type<tc>, window_params = [{pipeline_mode = #tpu.pipeline_mode<synchronous>, transform_indices = @transform_0, window_bounds = array<i64: 4096, 16>}, {transform_indices = @transform_1, window_bounds = array<i64: 256, 4096>}, {transform_indices = @transform_2, window_bounds = array<i64: 256>}]} {
    %get3A = arith.constant 0 : index
    %get3A_0 = arith.constant 0 : index
    %get3A_1 = vector.load %arg1[%get3A, %get3A_0] : memref<4096x16xf32, #tpu.memory_space<vmem>>, vector<4096x16xf32>
    %mul3A = arith.constant 256 : i32
    %mul3A_2 = arith.muli %arg0, %mul3A : i32
    %get3A_3 = arith.index_cast %mul3A_2 : i32 to index
    %get3A_4 = arith.constant 0 : index
    %get3A_5 = vector.load %arg1[%get3A_3, %get3A_4] : memref<4096x16xf32, #tpu.memory_space<vmem>>, vector<256x16xf32>
    %mul3A_6 = arith.mulf %get3A_1, %get3A_1 : vector<4096x16xf32>
    %reduce_sum3A = arith.constant dense<0.000000e+00> : vector<4096xf32>
    %reduce_sum3A_7 = vector.multi_reduction <add>, %mul3A_6, %reduce_sum3A [1] : vector<4096x16xf32> to vector<4096xf32>
    %mul3A_8 = arith.mulf %get3A_5, %get3A_5 : vector<256x16xf32>
    %reduce_sum3A_9 = arith.constant dense<0.000000e+00> : vector<256xf32>
    %reduce_sum3A_10 = vector.multi_reduction <add>, %mul3A_8, %reduce_sum3A_9 [1] : vector<256x16xf32> to vector<256xf32>
    %dot_general3A = arith.constant dense<0.000000e+00> : vector<256x4096xf32>
    %dot_general3A_11 = tpu.matmul %get3A_5, %get3A_1, %dot_general3A {dimension_numbers = #tpu.dot_dimension_numbers<[1], [1], [0], [0], [0, 0, 1, 0], [], []>, transpose_lhs_hint = false} : vector<256x16xf32>, vector<4096x16xf32>, vector<256x4096xf32> -> vector<256x4096xf32>
    %broadcast_in_dim3A = vector.shape_cast %reduce_sum3A_10 : vector<256xf32> to vector<256x1xf32>
    %broadcast_in_dim3A_12 = vector.shape_cast %reduce_sum3A_7 : vector<4096xf32> to vector<1x4096xf32>
    %add3A = vector.broadcast %broadcast_in_dim3A : vector<256x1xf32> to vector<256x4096xf32>
    %add3A_13 = vector.broadcast %broadcast_in_dim3A_12 : vector<1x4096xf32> to vector<256x4096xf32>
    %add3A_14 = arith.addf %add3A, %add3A_13 : vector<256x4096xf32>
    %mul3A_15 = arith.constant 2.000000e+00 : f32
    %mul3A_16 = vector.broadcast %mul3A_15 : f32 to vector<256x4096xf32>
    %mul3A_17 = arith.mulf %mul3A_16, %dot_general3A_11 : vector<256x4096xf32>
    %sub3A = arith.subf %add3A_14, %mul3A_17 : vector<256x4096xf32>
    %max3A = arith.constant 0.000000e+00 : f32
    %max3A_18 = vector.broadcast %max3A : f32 to vector<256x4096xf32>
    %max3A_19 = arith.maximumf %sub3A, %max3A_18 : vector<256x4096xf32>
    %swap3A = arith.constant 0 : index
    %swap3A_20 = arith.constant 0 : index
    %swap3A_21 = vector.load %arg2[%swap3A, %swap3A_20] : memref<256x4096xf32, #tpu.memory_space<vmem>>, vector<256x4096xf32>
    tpu.vector_store %arg2[%swap3A, %swap3A_20], %max3A_19 {strides = array<i32>} : memref<256x4096xf32, #tpu.memory_space<vmem>>, vector<256x4096xf32>,
    %sqrt3A = math.sqrt %reduce_sum3A_10 : vector<256xf32>
    %reduce_max3A = vector.shape_cast %reduce_sum3A_7 : vector<4096xf32> to vector<1x4096xf32>
    %reduce_max3A_22 = arith.constant dense<0xFF800000> : vector<1xf32>
    %reduce_max3A_23 = vector.multi_reduction <maximumf>, %reduce_max3A, %reduce_max3A_22 [1] : vector<1x4096xf32> to vector<1xf32>
    %reduce_max3A_24 = vector.shape_cast %reduce_max3A_23 : vector<1xf32> to vector<1x1xf32>
    %reduce_max3A_25 = vector.extract %reduce_max3A_24[0, 0] : f32 from vector<1x1xf32>
    %sqrt3A_26 = math.sqrt %reduce_max3A_25 : f32
    %add3A_27 = vector.broadcast %sqrt3A_26 : f32 to vector<256xf32>
    %add3A_28 = arith.addf %sqrt3A, %add3A_27 : vector<256xf32>
    %integer_pow3A = arith.mulf %add3A_28, %add3A_28 : vector<256xf32>
    %add3A_29 = arith.constant 1.000000e+00 : f32
    %add3A_30 = vector.broadcast %add3A_29 : f32 to vector<256xf32>
    %add3A_31 = arith.addf %integer_pow3A, %add3A_30 : vector<256xf32>
    %broadcast_in_dim3A_32 = arith.constant 0.000000e+00 : f32
    %broadcast_in_dim3A_33 = vector.broadcast %broadcast_in_dim3A_32 : f32 to vector<256xf32>
    %add3A_34 = arith.addf %broadcast_in_dim3A_33, %add3A_31 : vector<256xf32>
    %mul3A_35 = arith.constant 5.000000e-01 : f32
    %mul3A_36 = vector.broadcast %mul3A_35 : f32 to vector<256xf32>
    %mul3A_37 = arith.mulf %mul3A_36, %add3A_34 : vector<256xf32>
    %broadcast_in_dim3A_38 = vector.shape_cast %mul3A_37 : vector<256xf32> to vector<256x1xf32>
    %lt3A = vector.broadcast %broadcast_in_dim3A_38 : vector<256x1xf32> to vector<256x4096xf32>
    %lt3A_39 = arith.cmpf olt, %max3A_19, %lt3A : vector<256x4096xf32>
    %convert_element_type3A = arith.extui %lt3A_39 : vector<256x4096xi1> to vector<256x4096xi32>
    %reduce_sum3A_40 = arith.constant dense<0> : vector<256xi32>
    %reduce_sum3A_41 = vector.multi_reduction <add>, %convert_element_type3A, %reduce_sum3A_40 [1] : vector<256x4096xi32> to vector<256xi32>
    %ge3A = arith.constant 31 : i32
    %ge3A_42 = vector.broadcast %ge3A : i32 to vector<256xi32>
    %ge3A_43 = arith.cmpi sge, %reduce_sum3A_41, %ge3A_42 : vector<256xi32>
    %select_n3A = arith.select %ge3A_43, %mul3A_37, %add3A_31 : vector<256xi1>, vector<256xf32>
    %select_n3A_44 = arith.select %ge3A_43, %broadcast_in_dim3A_33, %mul3A_37 : vector<256xi1>, vector<256xf32>
    %add3A_45 = arith.addf %select_n3A_44, %select_n3A : vector<256xf32>
    %mul3A_46 = arith.constant 5.000000e-01 : f32
    %mul3A_47 = vector.broadcast %mul3A_46 : f32 to vector<256xf32>
    %mul3A_48 = arith.mulf %mul3A_47, %add3A_45 : vector<256xf32>
    %broadcast_in_dim3A_49 = vector.shape_cast %mul3A_48 : vector<256xf32> to vector<256x1xf32>
    %lt3A_50 = vector.broadcast %broadcast_in_dim3A_49 : vector<256x1xf32> to vector<256x4096xf32>
    %lt3A_51 = arith.cmpf olt, %max3A_19, %lt3A_50 : vector<256x4096xf32>
    %convert_element_type3A_52 = arith.extui %lt3A_51 : vector<256x4096xi1> to vector<256x4096xi32>
    %reduce_sum3A_53 = arith.constant dense<0> : vector<256xi32>
    %reduce_sum3A_54 = vector.multi_reduction <add>, %convert_element_type3A_52, %reduce_sum3A_53 [1] : vector<256x4096xi32> to vector<256xi32>
    %ge3A_55 = arith.constant 31 : i32
    %ge3A_56 = vector.broadcast %ge3A_55 : i32 to vector<256xi32>
    %ge3A_57 = arith.cmpi sge, %reduce_sum3A_54, %ge3A_56 : vector<256xi32>
    %select_n3A_58 = arith.select %ge3A_57, %mul3A_48, %select_n3A : vector<256xi1>, vector<256xf32>
    %select_n3A_59 = arith.select %ge3A_57, %select_n3A_44, %mul3A_48 : vector<256xi1>, vector<256xf32>
    %add3A_60 = arith.addf %select_n3A_59, %select_n3A_58 : vector<256xf32>
    %mul3A_61 = arith.constant 5.000000e-01 : f32
    %mul3A_62 = vector.broadcast %mul3A_61 : f32 to vector<256xf32>
    %mul3A_63 = arith.mulf %mul3A_62, %add3A_60 : vector<256xf32>
    %broadcast_in_dim3A_64 = vector.shape_cast %mul3A_63 : vector<256xf32> to vector<256x1xf32>
    %lt3A_65 = vector.broadcast %broadcast_in_dim3A_64 : vector<256x1xf32> to vector<256x4096xf32>
    %lt3A_66 = arith.cmpf olt, %max3A_19, %lt3A_65 : vector<256x4096xf32>
    %convert_element_type3A_67 = arith.extui %lt3A_66 : vector<256x4096xi1> to vector<256x4096xi32>
    %reduce_sum3A_68 = arith.constant dense<0> : vector<256xi32>
    %reduce_sum3A_69 = vector.multi_reduction <add>, %convert_element_type3A_67, %reduce_sum3A_68 [1] : vector<256x4096xi32> to vector<256xi32>
    %ge3A_70 = arith.constant 31 : i32
    %ge3A_71 = vector.broadcast %ge3A_70 : i32 to vector<256xi32>
    %ge3A_72 = arith.cmpi sge, %reduce_sum3A_69, %ge3A_71 : vector<256xi32>
    %select_n3A_73 = arith.select %ge3A_72, %mul3A_63, %select_n3A_58 : vector<256xi1>, vector<256xf32>
    %select_n3A_74 = arith.select %ge3A_72, %select_n3A_59, %mul3A_63 : vector<256xi1>, vector<256xf32>
    %add3A_75 = arith.addf %select_n3A_74, %select_n3A_73 : vector<256xf32>
    %mul3A_76 = arith.constant 5.000000e-01 : f32
    %mul3A_77 = vector.broadcast %mul3A_76 : f32 to vector<256xf32>
    %mul3A_78 = arith.mulf %mul3A_77, %add3A_75 : vector<256xf32>
    %broadcast_in_dim3A_79 = vector.shape_cast %mul3A_78 : vector<256xf32> to vector<256x1xf32>
    %lt3A_80 = vector.broadcast %broadcast_in_dim3A_79 : vector<256x1xf32> to vector<256x4096xf32>
    %lt3A_81 = arith.cmpf olt, %max3A_19, %lt3A_80 : vector<256x4096xf32>
    %convert_element_type3A_82 = arith.extui %lt3A_81 : vector<256x4096xi1> to vector<256x4096xi32>
    %reduce_sum3A_83 = arith.constant dense<0> : vector<256xi32>
    %reduce_sum3A_84 = vector.multi_reduction <add>, %convert_element_type3A_82, %reduce_sum3A_83 [1] : vector<256x4096xi32> to vector<256xi32>
    %ge3A_85 = arith.constant 31 : i32
    %ge3A_86 = vector.broadcast %ge3A_85 : i32 to vector<256xi32>
    %ge3A_87 = arith.cmpi sge, %reduce_sum3A_84, %ge3A_86 : vector<256xi32>
    %select_n3A_88 = arith.select %ge3A_87, %mul3A_78, %select_n3A_73 : vector<256xi1>, vector<256xf32>
    %select_n3A_89 = arith.select %ge3A_87, %select_n3A_74, %mul3A_78 : vector<256xi1>, vector<256xf32>
    %add3A_90 = arith.addf %select_n3A_89, %select_n3A_88 : vector<256xf32>
    %mul3A_91 = arith.constant 5.000000e-01 : f32
    %mul3A_92 = vector.broadcast %mul3A_91 : f32 to vector<256xf32>
    %mul3A_93 = arith.mulf %mul3A_92, %add3A_90 : vector<256xf32>
    %broadcast_in_dim3A_94 = vector.shape_cast %mul3A_93 : vector<256xf32> to vector<256x1xf32>
    %lt3A_95 = vector.broadcast %broadcast_in_dim3A_94 : vector<256x1xf32> to vector<256x4096xf32>
    %lt3A_96 = arith.cmpf olt, %max3A_19, %lt3A_95 : vector<256x4096xf32>
    %convert_element_type3A_97 = arith.extui %lt3A_96 : vector<256x4096xi1> to vector<256x4096xi32>
    %reduce_sum3A_98 = arith.constant dense<0> : vector<256xi32>
    %reduce_sum3A_99 = vector.multi_reduction <add>, %convert_element_type3A_97, %reduce_sum3A_98 [1] : vector<256x4096xi32> to vector<256xi32>
    %ge3A_100 = arith.constant 31 : i32
    %ge3A_101 = vector.broadcast %ge3A_100 : i32 to vector<256xi32>
    %ge3A_102 = arith.cmpi sge, %reduce_sum3A_99, %ge3A_101 : vector<256xi32>
    %select_n3A_103 = arith.select %ge3A_102, %mul3A_93, %select_n3A_88 : vector<256xi1>, vector<256xf32>
    %select_n3A_104 = arith.select %ge3A_102, %select_n3A_89, %mul3A_93 : vector<256xi1>, vector<256xf32>
    %add3A_105 = arith.addf %select_n3A_104, %select_n3A_103 : vector<256xf32>
    %mul3A_106 = arith.constant 5.000000e-01 : f32
    %mul3A_107 = vector.broadcast %mul3A_106 : f32 to vector<256xf32>
    %mul3A_108 = arith.mulf %mul3A_107, %add3A_105 : vector<256xf32>
    %broadcast_in_dim3A_109 = vector.shape_cast %mul3A_108 : vector<256xf32> to vector<256x1xf32>
    %lt3A_110 = vector.broadcast %broadcast_in_dim3A_109 : vector<256x1xf32> to vector<256x4096xf32>
    %lt3A_111 = arith.cmpf olt, %max3A_19, %lt3A_110 : vector<256x4096xf32>
    %convert_element_type3A_112 = arith.extui %lt3A_111 : vector<256x4096xi1> to vector<256x4096xi32>
    %reduce_sum3A_113 = arith.constant dense<0> : vector<256xi32>
    %reduce_sum3A_114 = vector.multi_reduction <add>, %convert_element_type3A_112, %reduce_sum3A_113 [1] : vector<256x4096xi32> to vector<256xi32>
    %ge3A_115 = arith.constant 31 : i32
    %ge3A_116 = vector.broadcast %ge3A_115 : i32 to vector<256xi32>
    %ge3A_117 = arith.cmpi sge, %reduce_sum3A_114, %ge3A_116 : vector<256xi32>
    %select_n3A_118 = arith.select %ge3A_117, %mul3A_108, %select_n3A_103 : vector<256xi1>, vector<256xf32>
    %select_n3A_119 = arith.select %ge3A_117, %select_n3A_104, %mul3A_108 : vector<256xi1>, vector<256xf32>
    %add3A_120 = arith.addf %select_n3A_119, %select_n3A_118 : vector<256xf32>
    %mul3A_121 = arith.constant 5.000000e-01 : f32
    %mul3A_122 = vector.broadcast %mul3A_121 : f32 to vector<256xf32>
    %mul3A_123 = arith.mulf %mul3A_122, %add3A_120 : vector<256xf32>
    %broadcast_in_dim3A_124 = vector.shape_cast %mul3A_123 : vector<256xf32> to vector<256x1xf32>
    %lt3A_125 = vector.broadcast %broadcast_in_dim3A_124 : vector<256x1xf32> to vector<256x4096xf32>
    %lt3A_126 = arith.cmpf olt, %max3A_19, %lt3A_125 : vector<256x4096xf32>
    %convert_element_type3A_127 = arith.extui %lt3A_126 : vector<256x4096xi1> to vector<256x4096xi32>
    %reduce_sum3A_128 = arith.constant dense<0> : vector<256xi32>
    %reduce_sum3A_129 = vector.multi_reduction <add>, %convert_element_type3A_127, %reduce_sum3A_128 [1] : vector<256x4096xi32> to vector<256xi32>
    %ge3A_130 = arith.constant 31 : i32
    %ge3A_131 = vector.broadcast %ge3A_130 : i32 to vector<256xi32>
    %ge3A_132 = arith.cmpi sge, %reduce_sum3A_129, %ge3A_131 : vector<256xi32>
    %select_n3A_133 = arith.select %ge3A_132, %mul3A_123, %select_n3A_118 : vector<256xi1>, vector<256xf32>
    %select_n3A_134 = arith.select %ge3A_132, %select_n3A_119, %mul3A_123 : vector<256xi1>, vector<256xf32>
    %add3A_135 = arith.addf %select_n3A_134, %select_n3A_133 : vector<256xf32>
    %mul3A_136 = arith.constant 5.000000e-01 : f32
    %mul3A_137 = vector.broadcast %mul3A_136 : f32 to vector<256xf32>
    %mul3A_138 = arith.mulf %mul3A_137, %add3A_135 : vector<256xf32>
    %broadcast_in_dim3A_139 = vector.shape_cast %mul3A_138 : vector<256xf32> to vector<256x1xf32>
    %lt3A_140 = vector.broadcast %broadcast_in_dim3A_139 : vector<256x1xf32> to vector<256x4096xf32>
    %lt3A_141 = arith.cmpf olt, %max3A_19, %lt3A_140 : vector<256x4096xf32>
    %convert_element_type3A_142 = arith.extui %lt3A_141 : vector<256x4096xi1> to vector<256x4096xi32>
    %reduce_sum3A_143 = arith.constant dense<0> : vector<256xi32>
    %reduce_sum3A_144 = vector.multi_reduction <add>, %convert_element_type3A_142, %reduce_sum3A_143 [1] : vector<256x4096xi32> to vector<256xi32>
    %ge3A_145 = arith.constant 31 : i32
    %ge3A_146 = vector.broadcast %ge3A_145 : i32 to vector<256xi32>
    %ge3A_147 = arith.cmpi sge, %reduce_sum3A_144, %ge3A_146 : vector<256xi32>
    %select_n3A_148 = arith.select %ge3A_147, %mul3A_138, %select_n3A_133 : vector<256xi1>, vector<256xf32>
    %swap3A_149 = arith.constant 0 : index
    %swap3A_150 = vector.load %arg3[%swap3A_149] : memref<256xf32, #tpu.memory_space<vmem>>, vector<256xf32>
    tpu.vector_store %arg3[%swap3A_149], %select_n3A_148 {strides = array<i32>} : memref<256xf32, #tpu.memory_space<vmem>>, vector<256xf32>,
    return
  }
  func.func @transform_0(%arg0: i32) -> (i32, i32) {
    %c0_i32 = arith.constant 0 : i32
    %c0_i32_0 = arith.constant 0 : i32
    %c0_i32_1 = arith.constant 0 : i32
    return %c0_i32, %c0_i32_0 : i32, i32
  }
  func.func @transform_1(%arg0: i32) -> (i32, i32) {
    %c0_i32 = arith.constant 0 : i32
    %c0_i32_0 = arith.constant 0 : i32
    return %arg0, %c0_i32 : i32, i32
  }
  func.func @transform_2(%arg0: i32) -> i32 {
    %c0_i32 = arith.constant 0 : i32
    return %arg0 : i32
  }
}

module attributes {stable_mosaic.version = 14 : i64} {
  func.func @_w_body(%arg0: i32, %arg1: memref<256x4096xf32, #tpu.memory_space<vmem>>, %arg2: memref<4096xf32, #tpu.memory_space<vmem>>, %arg3: memref<4096xf32, #tpu.memory_space<vmem>>, %arg4: memref<256x4096xf32, #tpu.memory_space<vmem>>) attributes {dimension_semantics = [#tpu.dimension_semantics<arbitrary>], iteration_bounds = array<i64: 16>, scalar_prefetch = 0 : i64, scratch_operands = 0 : i64, tpu.core_type = #tpu.core_type<tc>, window_params = [{transform_indices = @transform_0, window_bounds = array<i64: 256, 4096>}, {pipeline_mode = #tpu.pipeline_mode<synchronous>, transform_indices = @transform_1, window_bounds = array<i64: 4096>}, {pipeline_mode = #tpu.pipeline_mode<synchronous>, transform_indices = @transform_2, window_bounds = array<i64: 4096>}, {transform_indices = @transform_3, window_bounds = array<i64: 256, 4096>}]} {
    %get3A = arith.constant 0 : index
    %get3A_0 = arith.constant 0 : index
    %get3A_1 = vector.load %arg1[%get3A, %get3A_0] : memref<256x4096xf32, #tpu.memory_space<vmem>>, vector<256x4096xf32>
    %get3A_2 = arith.constant 0 : index
    %get3A_3 = vector.load %arg2[%get3A_2] : memref<4096xf32, #tpu.memory_space<vmem>>, vector<4096xf32>
    %get3A_4 = arith.constant 0 : index
    %get3A_5 = vector.load %arg3[%get3A_4] : memref<4096xf32, #tpu.memory_space<vmem>>, vector<4096xf32>
    %mul3A = arith.constant 256 : i32
    %mul3A_6 = arith.muli %arg0, %mul3A : i32
    %get3A_7 = arith.index_cast %mul3A_6 : i32 to index
    %get3A_8 = vector.load %arg2[%get3A_7] : memref<4096xf32, #tpu.memory_space<vmem>>, vector<256xf32>
    %mul3A_9 = arith.constant 256 : i32
    %mul3A_10 = arith.muli %arg0, %mul3A_9 : i32
    %get3A_11 = arith.index_cast %mul3A_10 : i32 to index
    %get3A_12 = vector.load %arg3[%get3A_11] : memref<4096xf32, #tpu.memory_space<vmem>>, vector<256xf32>
    %broadcast_in_dim3A = vector.shape_cast %get3A_12 : vector<256xf32> to vector<256x1xf32>
    %le3A = vector.broadcast %broadcast_in_dim3A : vector<256x1xf32> to vector<256x4096xf32>
    %le3A_13 = arith.cmpf ole, %get3A_1, %le3A : vector<256x4096xf32>
    %neg3A = arith.constant 0.000000e+00 : f32
    %neg3A_14 = vector.broadcast %neg3A : f32 to vector<256x4096xf32>
    %neg3A_15 = arith.subf %neg3A_14, %get3A_1 : vector<256x4096xf32>
    %add3A = arith.constant 9.99999996E-13 : f32
    %add3A_16 = vector.broadcast %add3A : f32 to vector<256xf32>
    %add3A_17 = arith.addf %get3A_8, %add3A_16 : vector<256xf32>
    %sqrt3A = math.sqrt %add3A_17 : vector<256xf32>
    %max3A = arith.constant 1.000000e-07 : f32
    %max3A_18 = vector.broadcast %max3A : f32 to vector<256xf32>
    %max3A_19 = arith.maximumf %sqrt3A, %max3A_18 : vector<256xf32>
    %mul3A_20 = arith.mulf %max3A_19, %max3A_19 : vector<256xf32>
    %div3A = arith.constant 1.000000e+00 : f32
    %div3A_21 = vector.broadcast %div3A : f32 to vector<256xf32>
    %div3A_22 = arith.divf %div3A_21, %mul3A_20 : vector<256xf32>
    %broadcast_in_dim3A_23 = vector.shape_cast %div3A_22 : vector<256xf32> to vector<256x1xf32>
    %mul3A_24 = vector.broadcast %broadcast_in_dim3A_23 : vector<256x1xf32> to vector<256x4096xf32>
    %mul3A_25 = arith.mulf %neg3A_15, %mul3A_24 : vector<256x4096xf32>
    %exp3A = math.exp %mul3A_25 : vector<256x4096xf32>
    %jit3A = arith.constant 0.000000e+00 : f32
    %broadcast_in_dim3A_26 = vector.broadcast %jit3A : f32 to vector<256x4096xf32>
    %select_n3A = arith.select %le3A_13, %exp3A, %broadcast_in_dim3A_26 : vector<256x4096xi1>, vector<256x4096xf32>
    %broadcast_in_dim3A_27 = vector.shape_cast %get3A_5 : vector<4096xf32> to vector<1x4096xf32>
    %le3A_28 = vector.broadcast %broadcast_in_dim3A_27 : vector<1x4096xf32> to vector<256x4096xf32>
    %le3A_29 = arith.cmpf ole, %get3A_1, %le3A_28 : vector<256x4096xf32>
    %neg3A_30 = arith.constant 0.000000e+00 : f32
    %neg3A_31 = vector.broadcast %neg3A_30 : f32 to vector<256x4096xf32>
    %neg3A_32 = arith.subf %neg3A_31, %get3A_1 : vector<256x4096xf32>
    %add3A_33 = arith.constant 9.99999996E-13 : f32
    %add3A_34 = vector.broadcast %add3A_33 : f32 to vector<4096xf32>
    %add3A_35 = arith.addf %get3A_3, %add3A_34 : vector<4096xf32>
    %sqrt3A_36 = math.sqrt %add3A_35 : vector<4096xf32>
    %max3A_37 = arith.constant 1.000000e-07 : f32
    %max3A_38 = vector.broadcast %max3A_37 : f32 to vector<4096xf32>
    %max3A_39 = arith.maximumf %sqrt3A_36, %max3A_38 : vector<4096xf32>
    %mul3A_40 = arith.mulf %max3A_39, %max3A_39 : vector<4096xf32>
    %div3A_41 = arith.constant 1.000000e+00 : f32
    %div3A_42 = vector.broadcast %div3A_41 : f32 to vector<4096xf32>
    %div3A_43 = arith.divf %div3A_42, %mul3A_40 : vector<4096xf32>
    %broadcast_in_dim3A_44 = vector.shape_cast %div3A_43 : vector<4096xf32> to vector<1x4096xf32>
    %mul3A_45 = vector.broadcast %broadcast_in_dim3A_44 : vector<1x4096xf32> to vector<256x4096xf32>
    %mul3A_46 = arith.mulf %neg3A_32, %mul3A_45 : vector<256x4096xf32>
    %exp3A_47 = math.exp %mul3A_46 : vector<256x4096xf32>
    %jit3A_48 = arith.constant 0.000000e+00 : f32
    %broadcast_in_dim3A_49 = vector.broadcast %jit3A_48 : f32 to vector<256x4096xf32>
    %select_n3A_50 = arith.select %le3A_29, %exp3A_47, %broadcast_in_dim3A_49 : vector<256x4096xi1>, vector<256x4096xf32>
    %add3A_51 = arith.addf %select_n3A, %select_n3A_50 : vector<256x4096xf32>
    %mul3A_52 = arith.constant 5.000000e-01 : f32
    %mul3A_53 = vector.broadcast %mul3A_52 : f32 to vector<256x4096xf32>
    %mul3A_54 = arith.mulf %mul3A_53, %add3A_51 : vector<256x4096xf32>
    %swap3A = arith.constant 0 : index
    %swap3A_55 = arith.constant 0 : index
    %swap3A_56 = vector.load %arg4[%swap3A, %swap3A_55] : memref<256x4096xf32, #tpu.memory_space<vmem>>, vector<256x4096xf32>
    tpu.vector_store %arg4[%swap3A, %swap3A_55], %mul3A_54 {strides = array<i32>} : memref<256x4096xf32, #tpu.memory_space<vmem>>, vector<256x4096xf32>,
    return
  }
  func.func @transform_0(%arg0: i32) -> (i32, i32) {
    %c0_i32 = arith.constant 0 : i32
    %c0_i32_0 = arith.constant 0 : i32
    return %arg0, %c0_i32 : i32, i32
  }
  func.func @transform_1(%arg0: i32) -> i32 {
    %c0_i32 = arith.constant 0 : i32
    %c0_i32_0 = arith.constant 0 : i32
    return %c0_i32 : i32
  }
  func.func @transform_2(%arg0: i32) -> i32 {
    %c0_i32 = arith.constant 0 : i32
    %c0_i32_0 = arith.constant 0 : i32
    return %c0_i32 : i32
  }
  func.func @transform_3(%arg0: i32) -> (i32, i32) {
    %c0_i32 = arith.constant 0 : i32
    %c0_i32_0 = arith.constant 0 : i32
    return %arg0, %c0_i32 : i32, i32
  }
}

</mosaic_0001>

<sc_bundles>
// kernel: kernel.5.cloned.1.call-start
scs
__scs_entry_jumppad:
0x0: {  	(pc) =	sbr.rel $0x88, $3  }
0x1: {  	(tag) =	ssettag $0x0;
	lr =	simm.s32 $0x1  }
0x2: {  	[smem:$0x3FA0] =	sst lr;
	_ =	strace $0xD0000000  }
0x3: {  	_ = 	snop  }
0x4: {  	_ = 	snop  }
0x5: {  	_ = 	snop  }
0x6: {  	_ = 	snop  }
0x7: {  	_ = 	snop  }
__scs_overlays_trampoline_lowered:
0x8: {  	[smem:$0x3FAF] =	sst s0  }
0x9: {  	[smem:$0x3FB0] =	sst s1  }
0xa: {  	[smem:$0x3FB1] =	sst s2  }
0xb: {  	[smem:$0x3FB2] =	sst s3  }
0xc: {  	[smem:$0x3FB3] =	sst s4  }
0xd: {  	[smem:$0x3FB4] =	sst s5  }
0xe: {  	[smem:$0x3FB5] =	sst s6  }
0xf: {  	[smem:$0x3FB6] =	sst s7  }
0x10: {  	[smem:$0x3FB7] =	sst s8  }
0x11: {  	[smem:$0x3FB8] =	sst s9;
	s0 =	simm.s32 @!p0 $0x0  }
0x12: {  	s1 =	sld [smem:$0x3F9E];
	s0 =	simm.s32 @p0 $0x1  }
0x13: {  	[smem:$0x3FB9] =	sst s0;
	s0 =	simm.s32 @!p1 $0x0  }
0x14: {  	s2 =	sld [smem:$0x3F9D];
	s0 =	simm.s32 @p1 $0x1  }
0x15: {  	[smem:$0x3FBA] =	sst s0;
	s0 =	simm.s32 @!p2 $0x0  }
0x16: {  	s3 =	sld [smem:$0x3FDB];
	s0 =	simm.s32 @p2 $0x1  }
0x17: {  	s4 =	simm.s32 $0x1BF5;
	[smem:$0x3FBC] =	sst s0  }
0x18: {  	s0 =	sld [smem:$0x3F9F];
	_ =	swait.ge [sflag:s4], $0x0  }
0x19: {  	s7 =	sld [smem:$0x3FA0]  }
0x1a: {  	s8 =	sadd.s32 $0xFFFFE003, lr  }
0x1b: {  	s9 =	sadd.s32 $0xFFFFFEF7, lr;
	s5 =	simm.s32 $0xFFFFFFFF;
	p2 =	slt.u32 s8, $0xFFFFF086  }
0x1c: {  	p1 =	slt.u32 s9, $0xF7A;
	s5 =	simm.s32 @!p2 $0x0  }
0x1d: {  	s5 =	simm.s32 @p1 $0x1;
	p0 =	seq.s32 s7, s2  }
0x1e: {  	s7 =	smul.u32 @!p0 $0xF7A, s2;
	p2 =	seq.s32 @!p0 s5, $0x0  }
0x1f: {  	s9 =	smul.u32 $0xF7A, s1;
	s8 =	simm.s32 @!p0 $0x1BF5;
	p2 =	por !p2, p0  }
0x20: {  	[sflag:s8] =	ssyncset.s32 @!p0 $0xFFFFF086;
	s6 =	sadd.s32 @!p0 s3, s7;
	s7 =	simm.s32 @!p0 $0x108  }
0x21: {  	s3 =	sadd.s32 s3, s9;
	s6 =	sadd.s32 @!p0 $0x88, s6;
	s7 =	simm.s32 @p2 $0x1082  }
0x22: {  	[simem:s7], [sflag:s8] =	dma.local @!p0 [hbm:s6], $0xF7A  }
0x23: {  	s9 =	sor.u32 $0xD0000000, s2;
	s6 =	simm.s32 $0x108;
	_ =	swait.ge @!p0 [sflag:s8], $0x0  }
0x24: {  	s3 =	sadd.s32 $0x88, s3;
	s6 =	simm.s32 @!p1 $0x1082;
	[sflag:s4] =	ssyncset.s32 $0xFFFFF086  }
0x25: {  	[simem:s6], [sflag:s4] =	dma.local [hbm:s3], $0xF7A  }
0x26: {  	[smem:$0x3FA0] =	sst s1;
	(tag) =	ssettag s2;
	_ =	strace s9  }
0x27: {  	s1 =	sld [smem:$0x3FB0]  }
0x28: {  	s2 =	sld [smem:$0x3FB1]  }
0x29: {  	s4 =	sld [smem:$0x3FB3]  }
0x2a: {  	p0 =	seq.s32 s5, $0x0;
	s5 =	sld [smem:$0x3FB4]  }
0x2b: {  	s6 =	sld [smem:$0x3FB5]  }
0x2c: {  	s7 =	sld [smem:$0x3FB6]  }
0x2d: {  	s3 =	simm.s32 $0x108;
	s8 =	sld [smem:$0x3FB7]  }
0x2e: {  	s3 =	simm.s32 @!p0 $0x1082;
	s9 =	sld [smem:$0x3FB8]  }
0x2f: {  	lr =	sadd.s32 s0, s3;
	s0 =	sld [smem:$0x3FAF]  }
0x30: {  	s3 =	sld [smem:$0x3FB2]  }
0x31: {  	[smem:$0x3FBB] =	sst s10  }
0x32: {  	s10 =	sld [smem:$0x3FB9];
	_ =	sdelay $0x3  }
0x33: {  	p0 =	seq.s32 s10, $0x1;
	s10 =	sld [smem:$0x3FBB];
	_ =	sdelay $0x3  }
0x34: {  	[smem:$0x3FBB] =	sst s10  }
0x35: {  	s10 =	sld [smem:$0x3FBA];
	_ =	sdelay $0x3  }
0x36: {  	p1 =	seq.s32 s10, $0x1;
	s10 =	sld [smem:$0x3FBB];
	_ =	sdelay $0x3  }
0x37: {  	[smem:$0x3FBB] =	sst s10  }
0x38: {  	s10 =	sld [smem:$0x3FBC]  }
0x39: {  	_ = 	snop;
	(pc) =	sbr.ind lr, $3  }
0x3a: {  	_ = 	snop  }
0x3b: {  	_ = 	snop  }
0x3c: {  	p2 =	seq.s32 s10, $0x1;
	s10 =	sld [smem:$0x3FBB]  }
0x3d: {  	_ =	shalt  }
0x3e: {  	_ =	shalt  }
0x3f: {  	_ =	shalt  }
0x40: {  	_ =	shalt  }
0x41: {  	_ =	shalt  }
0x42: {  	_ =	shalt  }
0x43: {  	_ =	shalt  }
0x44: {  	_ =	shalt  }
0x45: {  	_ =	shalt  }
0x46: {  	_ =	shalt  }
0x47: {  	_ =	shalt  }
0x48: {  	_ =	shalt  }
0x49: {  	_ =	shalt  }
0x4a: {  	_ =	shalt  }
0x4b: {  	_ =	shalt  }
0x4c: {  	_ =	shalt  }
0x4d: {  	_ =	shalt  }
0x4e: {  	_ =	shalt  }
0x4f: {  	_ =	shalt  }
0x50: {  	_ =	shalt  }
0x51: {  	_ =	shalt  }
0x52: {  	_ =	shalt  }
0x53: {  	_ =	shalt  }
0x54: {  	_ =	shalt  }
0x55: {  	_ =	shalt  }
0x56: {  	_ =	shalt  }
0x57: {  	_ =	shalt  }
0x58: {  	_ =	shalt  }
0x59: {  	_ =	shalt  }
0x5a: {  	_ =	shalt  }
0x5b: {  	_ =	shalt  }
0x5c: {  	_ =	shalt  }
0x5d: {  	_ =	shalt  }
0x5e: {  	_ =	shalt  }
0x5f: {  	_ =	shalt  }
0x60: {  	_ =	shalt  }
0x61: {  	_ =	shalt  }
0x62: {  	_ =	shalt  }
0x63: {  	_ =	shalt  }
0x64: {  	_ =	shalt  }
0x65: {  	_ =	shalt  }
0x66: {  	_ =	shalt  }
0x67: {  	_ =	shalt  }
0x68: {  	_ =	shalt  }
0x69: {  	_ =	shalt  }
0x6a: {  	_ =	shalt  }
0x6b: {  	_ =	shalt  }
0x6c: {  	_ =	shalt  }
0x6d: {  	_ =	shalt  }
0x6e: {  	_ =	shalt  }
0x6f: {  	_ =	shalt  }
0x70: {  	_ =	shalt  }
0x71: {  	_ =	shalt  }
0x72: {  	_ =	shalt  }
0x73: {  	_ =	shalt  }
0x74: {  	_ =	shalt  }
0x75: {  	_ =	shalt  }
0x76: {  	_ =	shalt  }
0x77: {  	_ =	shalt  }
0x78: {  	_ =	shalt  }
0x79: {  	_ =	shalt  }
0x7a: {  	_ =	shalt  }
0x7b: {  	_ =	shalt  }
0x7c: {  	_ =	shalt  }
0x7d: {  	_ =	shalt  }
0x7e: {  	_ =	shalt  }
0x7f: {  	_ =	shalt  }
0x80: {  	_ =	shalt  }
0x81: {  	_ =	shalt  }
0x82: {  	_ =	shalt  }
0x83: {  	_ =	shalt  }
0x84: {  	_ =	shalt  }
0x85: {  	_ =	shalt  }
0x86: {  	_ =	shalt  }
0x87: {  	_ =	shalt  }
.Lfunc_end0:
.L_simem_size_0:
called_computation_lowered:
.L_overlay_start_0:
0x88: {  	s2 =	sld [smem:$0x3FD9]  }
0x89: {  	s3 =	sld [smem:$0x3FFE];
	_ =	sdelay $0x1  }
0x8a: {  	s1 =	srdreg.scid  }
0x8b: {  	s0 =	sand.u32 $0x1, s1  }
0x8c: {  	s17 =	sshll.u32 s0, $0xA;
	s2 =	sadd.s32 s3, s2  }
0x8d: {  	s2 =	sadd.s32 s2, s17  }
0x8e: {  	[smem:$0x3FC7] =	sst s2  }
0x8f: {  	_ = 	snop  }
0x90: {  	s2 =	sld [smem:$0x3FD0];
	(tm) =	ssettm $0x1  }
0x91: {  	s18 =	sld [smem:$0x3FFB];
	_ =	sdelay $0x3  }
0x92: {  	_ =	strace s18  }
0x93: {  	s3 =	sld [smem:$0x3FFC];
	_ =	sdelay $0x3  }
0x94: {  	_ =	strace s3  }
0x95: {  	s3 =	sld [smem:$0x3FFD];
	_ =	sdelay $0x3  }
0x96: {  	_ =	strace s3  }
0x97: {  	_ =	strace $0x8FFFFFFF  }
0x98: {  	s19 =	sld [smem:$0x3FDB];
	_ =	sdelay $0x1  }
0x99: {  	s4 =	simm.s32 $_scs_section_size  }
0x9a: {  	s5 =	simm.s32 $_size__tile_overlayer_lowered;
	s6 =	simm.s32 $_tile_overlayer_lowered  }
0x9b: {  	s22 =	simm.s32 $0x1BFF;
	s21 =	sshll.u32 s6, $0x1;
	s3 =	sadd.s32 s4, s19  }
0x9c: {  	s7 =	simm.s32 $0x0;
	s20 =	sshll.u32 s5, $0x1;
	s5 =	sadd.s32 s21, s3  }
0x9d: {  	[timem:s7], [sflag:s22] =	dma.local [hbm:s5], s20  }
0x9e: {  	_ =	swait.ge [sflag:s22], s20  }
0x9f: {  	s4 =	ssub.s32 $0x0, s20;
	[sflag:s22] =	ssyncset.done $0x0  }
0xa0: {  	[sflag:s22] =	ssyncadd.s32 s4;
	_ =	sdelay $0x1  }
0xa1: {  	s23 =	simm.s32 $0x1B8B  }
0xa2: {  	_ =	swait.ge [sflag:s23], $0x1  }
0xa3: {  	[sflag:s23] =	ssyncset.done $0x0  }
0xa4: {  	s25 =	simm.s32 $0x1B8E;
	s24 =	sld [smem:$0x3FFE];
	[sflag:s23] =	ssyncadd.s32 $0xFFFFFFFF  }
0xa5: {  	s26 =	simm.s32 $execute0_lowered;
	[smem:$0x3FD2] =	sst s25  }
0xa6: {  	s5 =	sshll.u32 s26, $0x1;
	_ =	strace $0x80000046;
	[dreg:$0x1] =	wrdreg $0xFFFFFFFF  }
0xa7: {  	s28 =	simm.s32 $_size_execute0_lowered;
	s3 =	sadd.s32 s3, s5;
	[dreg:$0x0] =	wrdreg $0x0  }
0xa8: {  	s5 =	sshll.u32 s28, $0x1;
	[dreg:$0x2] =	wrdreg s3  }
0xa9: {  	[dreg:$0x3] =	wrdreg s5  }
0xaa: {  	[dreg:$0x4] =	wrdreg $0xC0  }
0xab: {  	_ =	task [dreg:s7], $0x5FFFF  }
0xac: {  	[dreg:$0x1] =	wrdreg $0xFFFFFFFF  }
0xad: {  	[dreg:$0x0] =	wrdreg $0x60  }
0xae: {  	[dreg:$0x2] =	wrdreg s24  }
0xaf: {  	[dreg:$0x3] =	wrdreg s2  }
0xb0: {  	[dreg:$0x4] =	wrdreg $0x9  }
0xb1: {  	_ =	task.clear_ibuf [dreg:s7], $0x5FFFF;
	_ =	strace $0x90000046  }
0xb2: {  	s29 =	simm.s32 $0x9;
	_ =	strace $0x80000048  }
0xb3: {  	_ =	swait.ge [sflag:s29], $0x1  }
0xb4: {  	[sflag:s29] =	ssyncadd.s32 $0xFFFFFFFF  }
0xb5: {  	_ =	strace $0x90000048  }
0xb6: {  	_ =	sfence  }
0xb7: {  	s30 =	sld [smem:$0x0];
	_ =	sdelay $0x2  }
0xb8: {  	s31 =	sshll.u32 s1, $0xD;
	s1 =	sshrl.u32 s1, $0x2  }
0xb9: {  	s3 =	sand.u32 $0x4000, s31;
	s1 =	sadd.s32 s1, s30  }
0xba: {  	s0 =	sor.u32 s3, s0;
	s1 =	sshll.u32 s1, $0x11  }
0xbb: {  	s0 =	sor.u32 s1, s0  }
0xbc: {  	s0 =	sadd.s32 $0x8F2B, s0  }
0xbd: {  	[sflag:s0] =	ssyncadd.remote.s32 $0x1  }
0xbe: {  	_ =	sfence.sel $0xFFFF  }
0xbf: {  	[dreg:$0x0] =	wrdreg $0xFFFFFFFF;
	(pc) =	sbr.abs _section_cstart, $3  }
0xc0: {  	[dreg:$0x1] =	wrdreg $0xFFFFFFFF  }
0xc1: {  	_ =	task.clear_ibuf [dreg:s7], $0x2FFFF;
	_ =	strace $0x9FFFFFFF  }
0xc2: {  	(tm) =	ssettm $0x7FFFFFFF  }
0xc3: {  	_ =	shalt  }
tec
execute0_lowered:
.L_overlay_start_1:
0x0: {  	(tag) =	ssettag $0x1  }
0x1: {  	s5 =	rddreg [dreg:$0x0]  }
0x2: {  	s6 =	rddreg [dreg:$0x1]  }
0x3: {  	s0 =	rddreg [dreg:$0x2];
	s3 =	srdreg.scid  }
0x4: {  	s2 =	simm.s32 $0x0;
	s1 =	stileid.u32;
	s12 =	simm.s32 $0x3  }
0x5: {  	s13 =	simm.s32 $0x1;
	s14 =	simm.s32 $0x8000;
	s15 =	simm.s32 $0x2  }
0x6: {  	s16 =	simm.s32 $0x11100;
	s17 =	simm.s32 $0x11180;
	s18 =	simm.s32 $0x0  }
0x7: {  	s7 =	sand.u32 $0x1, s3;
	[smem:$0x7FF] =	sst s2;
	s30 =	sshll.u32 s1, $0x8  }
0x8: {  	s4 =	sshll.u32 s7, $0x7;
	_ =	strace $0x80000047;
	s7 =	ssub.s32 $0x2, s7  }
.Ltmp0:
0x9: {  	s3 =	sor.u32 s4, s30;
	s4 =	sadd.s32 $0x1000, s5;
	(pc) =	sbr.rel .LBB2_1-.Ltmp0, $4  }
0xa: {  	v0 =	vlaneseq.u32;
	s31 =	sshrl.u32 s7, $0x1;
	s8 =	sshrl.u32 s3, $0x3;
	s10 =	sshll.u32 s3, $0x9  }
0xb: {  	v2 =	vmul.u32 $0xFFFFFFFF, v0;
	s11 =	ssub.s32 s7, s31;
	s7 =	sor.u32 $0x10, s3;
	s9 =	sadd.s32 s8, s5  }
0xc: {  	v1 =	vimm.f32 $1.000000020e+30;
	s5 =	sadd.s32 s6, s8;
	s6 =	sadd.s32 s4, s10;
	s10 =	smax.u32 s11, $0x1  }
0xd: {  	v2 =	vadd.s32 $0xF, v2;
	s11 =	simm.s32 $0x11080;
	s8 =	sadd.s32 $0x201000, s9;
	s9 =	sadd.s32 $0x201200, s9  }
.LBB2_35:
0xe: {  	[hbm4b:s8+s2] =	stream.linear.scatter [tilespmem:s16], [sflag:$0x3], $0x80, $0x38;
	[tilespmem:$0x11200] =	vst v63  }
0xf: {  	s18 =	sadd.s32 $0x1, s18;
	_ =	swait.ge [sflag:s12], $0x80  }
0x10: {  	p0 =	sne.s32 s18, s10;
	[sflag:s12] =	ssyncset.done $0x0  }
.Ltmp1:
0x11: {  	[sflag:s12] =	ssyncadd.s32 $0xFFFFFF80;
	(pc) =	sbr.rel @!p0 .LBB2_36-.Ltmp1, $4  }
0x12: {  	[hbm4b:s9+s2] =	stream.linear.scatter [tilespmem:s17], [sflag:$0x3], $0x80, $0x38;
	[tilespmem:$0x11200] =	vst v63  }
0x13: {  	_ =	swait.ge [sflag:s12], $0x80  }
0x14: {  	[sflag:s12] =	ssyncset.done $0x0  }
0x15: {  	[sflag:s12] =	ssyncadd.s32 $0xFFFFFF80  }
.LBB2_1:
0x16: {  	[tilespmem:s11], [sflag:$0x3] =	stream.linear.gather [hbm4b:s5+s2], $0x80, $0x38;
	[tilespmem:$0x11200] =	vst v63  }
.Ltmp2:
0x17: {  	_ = 	snop;
	(pc) =	sbr.rel .LBB2_2-.Ltmp2, $4  }
0x18: {  	_ =	swait.ge [sflag:s12], $0x80  }
0x19: {  	[sflag:s12] =	ssyncset.done $0x0  }
0x1a: {  	s20 =	simm.s32 $0x0;
	[sflag:s12] =	ssyncadd.s32 $0xFFFFFF80  }
0x1b: {  	[tilespmem:s2], [sflag:$0x1] =	stream.linear.gather [hbm4b:s6+s2], $0x8000, $0x38;
	[tilespmem:$0x11200] =	vst v63  }
.LBB2_34:
0x1c: {  	p0 =	sne.s32 s20, $0x8  }
.Ltmp3:
0x1d: {  	_ = 	snop;
	(pc) =	sbr.rel @!p0 .LBB2_35-.Ltmp3, $3  }
0x1e: {  	_ =	sdelay $0x1  }
0x1f: {  	[tilespmem:s19+$0x11100] =	vst v4  }
0x20: {  	[tilespmem:s19+$0x11180] =	vst v3  }
.LBB2_2:
0x21: {  	s19 =	sshll.u32 s20, $0x4  }
0x22: {  	s21 =	sadd.s32 s19, s3  }
.Ltmp4:
0x23: {  	_ =	swait.ge [sflag:s13], $0x8000;
	s21 =	sshll.u32 s21, $0x9;
	(pc) =	sbr.rel .LBB2_3-.Ltmp4, $4  }
0x24: {  	[sflag:s13] =	ssyncset.done $0x0;
	s21 =	sadd.s32 s4, s21  }
0x25: {  	[sflag:s13] =	ssyncadd.s32 $0xFFFF8000;
	s22 =	sadd.s32 $0x1000, s21;
	s21 =	simm.s32 $0x0  }
0x26: {  	[tilespmem:s14], [sflag:$0x2] =	stream.linear.gather [hbm4b:s22+s21], $0x8000, $0x38;
	[tilespmem:$0x11200] =	vst v63  }
0x27: {  	v3 =	vimm.f32 $0.0e+00;
	v4 =	vimm.f32 $0.0e+00;
	s22 =	simm.s32 $0x0;
	v5 =	vld [tilespmem:s19+$0x11080]  }
.LBB2_8:
0x28: {  	_ = 	snop  }
.LBB2_13:
0x29: {  	v9, _, _ =	vpop @p0 (xrf1)  }
0x2a: {  	v9 =	vperm.xlane @p0 v9, v2;
	v10, _, _ =	vpop @p1 (xrf1)  }
0x2b: {  	v10 =	vpsel p1, v10, v6  }
0x2c: {  	(xrf1) =	vsort.ascd.msk.f32 $0xffff, v8, v8;
	v8 =	vmax.f32 @p0 v10, v9  }
0x2d: {  	(xrf1) =	vsort.ascd.msk.f32 @p0 $0xffff, v8, v8;
	_ =	sdelay $0xc  }
0x2e: {  	v8, _, _ =	vpop (xrf1)  }
0x2f: {  	v8 =	vperm.xlane v8, v2;
	v11, _, _ =	vpop @p0 (xrf1)  }
0x30: {  	v7 =	vpsel p0, v11, v7  }
0x31: {  	v7 =	vmin.f32 v7, v8  }
0x32: {  	(xrf1) =	vsort.ascd.msk.f32 $0xffff, v7, v7;
	v7 =	vmin.f32 @p0 v10, v9  }
0x33: {  	(xrf1) =	vsort.ascd.msk.f32 @p0 $0xffff, v7, v7;
	_ =	sdelay $0xc  }
0x34: {  	v7, _, _ =	vpop (xrf1)  }
0x35: {  	v7 =	vperm.xlane v7, v2;
	v8, _, _ =	vpop @p0 (xrf1)  }
0x36: {  	v6 =	vpsel p0, v8, v6  }
0x37: {  	v8 =	vmax.f32 v6, v7  }
0x38: {  	v6 =	vmin.f32 v6, v7;
	(xrf1) =	vsort.ascd.msk.f32 $0xffff, v8, v8  }
0x39: {  	(xrf1) =	vsort.ascd.msk.f32 $0xffff, v6, v6;
	_ =	sdelay $0xc  }
0x3a: {  	v7, _, _ =	vpop (xrf1)  }
0x3b: {  	v6, _, _ =	vpop (xrf1)  }
.LBB2_17:
0x3c: {  	vm1 =	veq.s32 v0, $0xF  }
0x3d: {  	(xrf0) =	vmax.scan.msk.f32 $0xffff, v6;
	v6 =	vsel vm1, $0xBF800000, v7  }
0x3e: {  	(xrf0) =	vmax.scan.msk.f32 $0xffff, v6;
	_ =	sdelay $0x2  }
0x3f: {  	s22 =	sadd.s32 $0x1, s22  }
0x40: {  	p0 =	sne.s32 s22, $0x8  }
.Ltmp5:
0x41: {  	v6, _, _ =	vpop (xrf0);
	(pc) =	sbr.rel @!p0 .LBB2_18-.Ltmp5, $3  }
0x42: {  	v7, _, _ =	vpop (xrf0)  }
0x43: {  	v6 =	vbroadcast v6, $0xF;
	v7 =	vbroadcast v7, $0xF;
	_ =	sdelay $0x1  }
0x44: {  	v4 =	vsel vm0, v6, v4;
	v3 =	vsel vm0, v7, v3  }
.LBB2_3:
0x45: {  	s23 =	sshll.u32 s22, $0x7  }
0x46: {  	v6 =	vmov s23;
	_ =	sdelay $0x2  }
0x47: {  	v7 =	vmov s22;
	s24 =	sand.u32 $0x40, s21;
	s25 =	sand.u32 $0x7C00, s21  }
0x48: {  	vm0 =	veq.s32 v7, v0;
	s24 =	sor.u32 s24, s25  }
0x49: {  	v8 =	vnsel vm0, $0xBF800000, v5;
	v7 =	vld.idx.msk [tilespmem:v6+s24+$0x20 ss:$0x1], $0xffff  }
0x4a: {  	(xrf0) =	vmax.scan.msk.f32 $0xffff, v8;
	v10 =	vld.idx.msk [tilespmem:v6+s24+$0x10 ss:$0x1], $0xffff  }
0x4b: {  	v8 =	vld.idx.msk [tilespmem:v6+s24+$0x30 ss:$0x1], $0xffff  }
0x4c: {  	v11 =	vld.idx.msk [tilespmem:v6+s24+$0x0 ss:$0x1], $0xffff;
	_ =	sdelay $0x3  }
0x4d: {  	v9, _, _ =	vpop (xrf0)  }
0x4e: {  	v12 =	vmin.f32 v11, v10;
	v13 =	vmin.f32 v7, v8;
	v9 =	vbroadcast v9, $0xF  }
0x4f: {  	v12 =	vmin.f32 v12, v13  }
0x50: {  	vm1 =	vlt.f32 v12, v9  }
0x51: {  	v12 =	vmpcnt.ones.xlane vm1;
	_ =	sdelay $0x1  }
0x52: {  	(v2sf) =	vpush v12, $0x0;
	_ =	sdelay $0xe  }
0x53: {  	s31 =	spop (v2sf)  }
0x54: {  	p0 =	slt.s32 s31, $0x1  }
0x55: {  	vm2 =	vlt.f32 @!p0 v11, v9  }
0x56: {  	vm3 =	vlt.f32 @!p0 v10, v9;
	v12 =	vmpcnt.ones.xlane @!p0 vm2  }
0x57: {  	v13 =	vmpcnt.ones.xlane @!p0 vm3  }
0x58: {  	vm1 =	vlt.f32 @!p0 v7, v9;
	(v2sf) =	vpush @!p0 v12, $0x0  }
0x59: {  	v12 =	vmpcnt.ones.xlane @!p0 vm1;
	(v2sf) =	vpush @!p0 v13, $0x0;
	_ =	sdelay $0x1  }
0x5a: {  	(v2sf) =	vpush @!p0 v12, $0x0;
	_ =	sdelay $0xb  }
0x5b: {  	s24 =	spop @!p0 (v2sf)  }
0x5c: {  	s25 =	sadd.s32 @!p0 $0x0, s24;
	s26 =	spop @!p0 (v2sf)  }
0x5d: {  	[tilespmem:s21+$0x10000] =	vst.msk @!p0 vm2, v11;
	s24 =	simm.s32 $0x40;
	s28 =	sadd.s32 @!p0 s25, s26  }
0x5e: {  	[tilespmem:s25+$0x10000] =	vst.msk @!p0 vm3, v10;
	s25 =	simm.s32 $0x200;
	s29 =	spop @!p0 (v2sf);
	s26 =	simm.s32 $0x0  }
.LBB2_4:
0x5f: {  	s30 =	smov.u32 s26  }
0x60: {  	s26 =	sand.u32 $0x40, s24;
	s31 =	sand.u32 $0x7C00, s25;
	[tilespmem:s28+$0x10000] =	vst.msk @!p0 vm1, v7;
	s28 =	sadd.s32 @!p0 s28, s29;
	vm1 =	vlt.f32 @!p0 v8, v9  }
0x61: {  	s26 =	sor.u32 s26, s31;
	[tilespmem:s28+$0x10000] =	vst.msk @!p0 vm1, v8;
	v8 =	vmpcnt.ones.xlane @!p0 vm1  }
0x62: {  	s24 =	sadd.s32 $0x40, s24;
	v7 =	vld.idx.msk [tilespmem:v6+s26+$0x20 ss:$0x1], $0xffff  }
0x63: {  	p1 =	sne.s32 s24, $0x1000;
	v10 =	vld.idx.msk [tilespmem:v6+s26+$0x10 ss:$0x1], $0xffff;
	(v2sf) =	vpush @!p0 v8, $0x0  }
0x64: {  	v8 =	vld.idx.msk [tilespmem:v6+s26+$0x30 ss:$0x1], $0xffff  }
0x65: {  	v11 =	vld.idx.msk [tilespmem:v6+s26+$0x0 ss:$0x1], $0xffff;
	_ =	sdelay $0x5  }
0x66: {  	v13 =	vmin.f32 v7, v8;
	v12 =	vmin.f32 v11, v10  }
0x67: {  	v12 =	vmin.f32 v12, v13  }
0x68: {  	vm1 =	vlt.f32 v12, v9  }
0x69: {  	v12 =	vmpcnt.ones.xlane vm1;
	_ =	sdelay $0x1  }
0x6a: {  	(v2sf) =	vpush v12, $0x0;
	_ =	sdelay $0x1  }
0x6b: {  	s26 =	spop @!p0 (v2sf)  }
0x6c: {  	s26 =	sadd.s32 @!p0 s28, s26  }
0x6d: {  	s26 =	smov.u32 @p0 s30;
	_ =	sdelay $0xa  }
0x6e: {  	s28 =	spop (v2sf)  }
0x6f: {  	p0 =	slt.s32 s28, $0x1  }
0x70: {  	vm2 =	vlt.f32 @!p0 v11, v9  }
0x71: {  	vm3 =	vlt.f32 @!p0 v10, v9;
	v12 =	vmpcnt.ones.xlane @!p0 vm2  }
0x72: {  	vm1 =	vlt.f32 @!p0 v7, v9;
	v13 =	vmpcnt.ones.xlane @!p0 vm3  }
0x73: {  	v14 =	vmpcnt.ones.xlane @!p0 vm1;
	(v2sf) =	vpush @!p0 v12, $0x0  }
0x74: {  	(v2sf) =	vpush @!p0 v13, $0x0  }
0x75: {  	(v2sf) =	vpush @!p0 v14, $0x0;
	_ =	sdelay $0xa  }
.Ltmp6:
0x76: {  	(pc) =	sbr.rel @p1 .LBB2_4-.Ltmp6, $4  }
0x77: {  	_ = 	snop  }
0x78: {  	s28 =	spop @!p0 (v2sf)  }
0x79: {  	[tilespmem:s26+$0x10000] =	vst.msk @!p0 vm2, v11;
	s28 =	sadd.s32 @!p0 s26, s28;
	s29 =	spop @!p0 (v2sf)  }
0x7a: {  	s25 =	sadd.s32 $0x200, s25;
	[tilespmem:s28+$0x10000] =	vst.msk @!p0 vm3, v10;
	s28 =	sadd.s32 @!p0 s28, s29;
	s29 =	spop @!p0 (v2sf)  }
0x7b: {  	vm2 =	vlt.f32 @!p0 v8, v9  }
0x7c: {  	v9 =	vmpcnt.ones.xlane @!p0 vm2;
	_ =	sdelay $0x1  }
0x7d: {  	(v2sf) =	vpush @!p0 v9, $0x0;
	_ =	sdelay $0xe  }
0x7e: {  	s25 =	sadd.s32 @!p0 s28, s29;
	s24 =	spop @!p0 (v2sf)  }
0x7f: {  	s24 =	sadd.s32 @!p0 s25, s24  }
0x80: {  	s24 =	smov.u32 @p0 s26  }
0x81: {  	p1 =	slt.s32 s24, $0x1F  }
.Ltmp7:
0x82: {  	_ = 	snop;
	(pc) =	sbr.rel @p1 .LBB2_14-.Ltmp7, $3  }
0x83: {  	_ =	sdelay $0x1  }
0x84: {  	[tilespmem:s28+$0x10000] =	vst.msk @!p0 vm1, v7  }
0x85: {  	[tilespmem:s25+$0x10000] =	vst.msk @!p0 vm2, v8  }
0x86: {  	[tilespmem:s24+$0x10000] =	vst v1  }
0x87: {  	[tilespmem:s24+$0x10010] =	vst v1  }
0x88: {  	v6 =	vld [tilespmem:$0x10000]  }
0x89: {  	v7 =	vld [tilespmem:$0x10010];
	_ =	sdelay $0x3  }
0x8a: {  	(xrf1) =	vsort.ascd.msk.f32 $0xffff, v6, v6  }
0x8b: {  	(xrf1) =	vsort.ascd.msk.f32 $0xffff, v7, v7;
	_ =	sdelay $0xc  }
0x8c: {  	v6, _, _ =	vpop (xrf1)  }
0x8d: {  	v7, _, _ =	vpop (xrf1)  }
0x8e: {  	v7 =	vperm.xlane v7, v2;
	_ =	sdelay $0x1  }
0x8f: {  	v8 =	vmin.f32 v6, v7  }
0x90: {  	v6 =	vmax.f32 v6, v7;
	(xrf1) =	vsort.ascd.msk.f32 $0xffff, v8, v8  }
0x91: {  	(xrf1) =	vsort.ascd.msk.f32 $0xffff, v6, v6;
	_ =	sdelay $0x1  }
0x92: {  	s23 =	sadd.s32 $0xF, s24  }
0x93: {  	s24 =	sand.u32 $0xF, s23  }
0x94: {  	s31 =	sshra.s32 s23, $0x1F;
	p1 =	slt.s32 s23, $0x0;
	p0 =	sne.s32 s24, $0x0  }
0x95: {  	s24 =	sshrl.u32 s31, $0x1C;
	p0 =	por !p1, !p0  }
0x96: {  	s23 =	sadd.s32 s24, s23;
	s24 =	simm.s32 $0x1;
	p0 =	por !p0, !p0  }
0x97: {  	s23 =	sshra.s32 s23, $0x4;
	s24 =	simm.s32 @!p0 $0x0  }
0x98: {  	s24 =	ssub.s32 s23, s24  }
0x99: {  	p1 =	slt.s32 s24, $0x3  }
.Ltmp8:
0x9a: {  	_ = 	snop;
	(pc) =	sbr.rel @p1 .LBB2_17-.Ltmp8, $3  }
0x9b: {  	_ =	sdelay $0x1  }
0x9c: {  	v6, _, _ =	vpop (xrf1)  }
0x9d: {  	v7, _, _ =	vpop (xrf1)  }
0x9e: {  	s24 =	simm.s32 $0xFFFFFFFF  }
0x9f: {  	s24 =	simm.s32 @!p0 $0x0  }
0xa0: {  	s23 =	sadd.s32 s24, s23  }
0xa1: {  	s23 =	sadd.s32 $0xFFFFFFFE, s23  }
0xa2: {  	p2 =	seq.s32 s23, $0x1  }
.Ltmp9:
0xa3: {  	_ = 	snop;
	(pc) =	sbr.rel @p2 .LBB2_8-.Ltmp9, $4  }
0xa4: {  	_ = 	snop  }
0xa5: {  	s31 =	simm.s32 $0x10020  }
0xa6: {  	v8 =	vld [tilespmem:s31+$0x0]  }
0xa7: {  	p1 =	por $0x0, $0x0;
	p0 =	por $0x0, $0x0;
	s23 =	sadd.s32 $0xFFFFFFFF, s23  }
0xa8: {  	_ =	sdelay $0x2  }
0xa9: {  	(xrf1) =	vsort.ascd.msk.f32 $0xffff, v8, v8;
	_ =	sdelay $0xd  }
0xaa: {  	v8, _, _ =	vpop (xrf1)  }
0xab: {  	v8 =	vperm.xlane v8, v2;
	_ =	sdelay $0x1  }
0xac: {  	v8 =	vmin.f32 v7, v8  }
0xad: {  	(xrf1) =	vsort.ascd.msk.f32 $0xffff, v8, v8;
	_ =	sdelay $0x7  }
0xae: {  	p2 =	seq.s32 s23, $0x1  }
.Ltmp10:
0xaf: {  	_ = 	snop;
	(pc) =	sbr.rel @p2 .LBB2_10-.Ltmp10, $4  }
0xb0: {  	_ = 	snop  }
0xb1: {  	s24 =	simm.s32 $0x10030  }
0xb2: {  	v8 =	vld [tilespmem:s24+$0x0]  }
0xb3: {  	p0 =	por $0x1, $0x1;
	s24 =	sadd.s32 $0xFFFFFFFF, s23  }
0xb4: {  	_ = 	snop  }
0xb5: {  	v9, _, _ =	vpop (xrf1)  }
0xb6: {  	v9 =	vperm.xlane v9, v2  }
0xb7: {  	(xrf1) =	vsort.ascd.msk.f32 $0xffff, v8, v8  }
0xb8: {  	v8 =	vmax.f32 v6, v9  }
0xb9: {  	(xrf1) =	vsort.ascd.msk.f32 $0xffff, v8, v8;
	_ =	sdelay $0xb  }
0xba: {  	v8, _, _ =	vpop (xrf1)  }
0xbb: {  	v8 =	vperm.xlane v8, v2  }
0xbc: {  	v10, _, _ =	vpop (xrf1)  }
0xbd: {  	v8 =	vmin.f32 v10, v8  }
0xbe: {  	(xrf1) =	vsort.ascd.msk.f32 $0xffff, v8, v8;
	v8 =	vmin.f32 v6, v9  }
0xbf: {  	(xrf1) =	vsort.ascd.msk.f32 $0xffff, v8, v8;
	_ =	sdelay $0x6  }
0xc0: {  	p2 =	seq.s32 s24, $0x1  }
.Ltmp11:
0xc1: {  	_ = 	snop;
	(pc) =	sbr.rel @p2 .LBB2_13-.Ltmp11, $4  }
0xc2: {  	_ = 	snop  }
0xc3: {  	s23 =	simm.s32 $0x10040  }
0xc4: {  	v8 =	vld [tilespmem:s23+$0x0]  }
0xc5: {  	s24 =	sadd.s32 $0xFFFFFFFF, s24;
	p1 =	por $0x1, $0x1  }
.LBB2_12:
0xc6: {  	p2 =	seq.s32 s24, $0x1;
	_ =	sdelay $0x1  }
0xc7: {  	v9, _, _ =	vpop (xrf1)  }
0xc8: {  	v9 =	vperm.xlane v9, v2  }
0xc9: {  	(xrf1) =	vsort.ascd.msk.f32 $0xffff, v8, v8;
	v8, _, _ =	vpop (xrf1)  }
0xca: {  	v10 =	vmax.f32 v8, v9  }
0xcb: {  	(xrf1) =	vsort.ascd.msk.f32 $0xffff, v10, v10;
	_ =	sdelay $0xb  }
0xcc: {  	v10, _, _ =	vpop (xrf1)  }
0xcd: {  	v10 =	vperm.xlane v10, v2  }
0xce: {  	v11, _, _ =	vpop (xrf1)  }
0xcf: {  	v10 =	vmin.f32 v11, v10  }
0xd0: {  	(xrf1) =	vsort.ascd.msk.f32 $0xffff, v10, v10  }
0xd1: {  	v8 =	vmin.f32 v8, v9  }
0xd2: {  	(xrf1) =	vsort.ascd.msk.f32 $0xffff, v8, v8;
	_ =	sdelay $0x4  }
.Ltmp12:
0xd3: {  	(pc) =	sbr.rel @!p2 .LBB2_12-.Ltmp12, $3  }
0xd4: {  	_ =	sdelay $0x1  }
0xd5: {  	s23 =	sadd.s32 $0x10, s23  }
0xd6: {  	s24 =	sadd.s32 $0xFFFFFFFF, s24;
	v8 =	vld [tilespmem:s23+$0x0]  }
.Ltmp13:
0xd7: {  	_ = 	snop;
	(pc) =	sbr.rel .LBB2_13-.Ltmp13, $1  }
0xd8: {  	_ =	sdelay $0x3  }
.LBB2_14:
0xd9: {  	v7 =	vld [tilespmem:s23+$0x0]  }
0xda: {  	v8 =	vld [tilespmem:s23+$0x10];
	_ =	sdelay $0x3  }
0xdb: {  	(xrf1) =	vsort.ascd.msk.f32 $0xffff, v7, v7  }
0xdc: {  	(xrf1) =	vsort.ascd.msk.f32 $0xffff, v8, v8;
	_ =	sdelay $0xb  }
0xdd: {  	s28 =	simm.s32 $0x20;
	s24 =	simm.s32 $0x100  }
0xde: {  	s23 =	sand.u32 $0x70, s28;
	s24 =	sand.u32 $0x7C00, s24;
	v7, _, _ =	vpop (xrf1)  }
0xdf: {  	s23 =	sor.u32 s23, s24;
	v8, _, _ =	vpop (xrf1)  }
0xe0: {  	v9 =	vld.idx.msk [tilespmem:v6+s23+$0x0 ss:$0x1], $0xffff;
	v8 =	vperm.xlane v8, v2;
	_ =	sdelay $0x1  }
0xe1: {  	v10 =	vmin.f32 v7, v8  }
0xe2: {  	v7 =	vmax.f32 v7, v8;
	(xrf1) =	vsort.ascd.msk.f32 $0xffff, v10, v10  }
0xe3: {  	(xrf1) =	vsort.ascd.msk.f32 $0xffff, v7, v7  }
0xe4: {  	(xrf1) =	vsort.ascd.msk.f32 $0xffff, v9, v9;
	_ =	sdelay $0xb  }
0xe5: {  	v7, _, _ =	vpop (xrf1)  }
0xe6: {  	v8, _, _ =	vpop (xrf1)  }
0xe7: {  	v9, _, _ =	vpop (xrf1)  }
0xe8: {  	v9 =	vperm.xlane v9, v2;
	_ =	sdelay $0x1  }
0xe9: {  	v8 =	vmin.f32 v8, v9  }
0xea: {  	(xrf1) =	vsort.ascd.msk.f32 $0xffff, v8, v8;
	_ =	sdelay $0x7  }
0xeb: {  	s29 =	simm.s32 $0x30;
	s30 =	simm.s32 $0x180  }
0xec: {  	s24 =	sand.u32 $0x7C00, s30;
	s23 =	sand.u32 $0x70, s29  }
0xed: {  	s23 =	sor.u32 s23, s24  }
0xee: {  	v8 =	vld.idx.msk [tilespmem:v6+s23+$0x0 ss:$0x1], $0xffff;
	_ =	sdelay $0x2  }
0xef: {  	v62, _, _ =	vpop (xrf1)  }
0xf0: {  	v9 =	vperm.xlane v62, v2  }
0xf1: {  	(xrf1) =	vsort.ascd.msk.f32 $0xffff, v8, v8  }
0xf2: {  	v8 =	vmax.f32 v7, v9  }
0xf3: {  	(xrf1) =	vsort.ascd.msk.f32 $0xffff, v8, v8;
	_ =	sdelay $0xb  }
0xf4: {  	v8, _, _ =	vpop (xrf1)  }
0xf5: {  	v8 =	vperm.xlane v8, v2  }
0xf6: {  	v63, _, _ =	vpop (xrf1)  }
0xf7: {  	v8 =	vmin.f32 v63, v8  }
0xf8: {  	(xrf1) =	vsort.ascd.msk.f32 $0xffff, v8, v8  }
0xf9: {  	v7 =	vmin.f32 v7, v9  }
0xfa: {  	(xrf1) =	vsort.ascd.msk.f32 $0xffff, v7, v7;
	_ =	sdelay $0x4  }
0xfb: {  	s31 =	simm.s32 $0x40;
	s23 =	simm.s32 $0x200  }
0xfc: {  	s25 =	sand.u32 $0x70, s31;
	s24 =	simm.s32 $0x50;
	s26 =	sand.u32 $0x7C00, s23  }
.LBB2_15:
0xfd: {  	p0 =	sne.s32 s24, $0xFF0;
	s25 =	sor.u32 s25, s26  }
0xfe: {  	v7 =	vld.idx.msk [tilespmem:v6+s25+$0x0 ss:$0x1], $0xffff;
	_ =	sdelay $0x3  }
0xff: {  	v8, _, _ =	vpop (xrf1)  }
0x100: {  	v8 =	vperm.xlane v8, v2  }
0x101: {  	(xrf1) =	vsort.ascd.msk.f32 $0xffff, v7, v7;
	v7, _, _ =	vpop (xrf1)  }
0x102: {  	v9 =	vmax.f32 v7, v8  }
0x103: {  	(xrf1) =	vsort.ascd.msk.f32 $0xffff, v9, v9;
	_ =	sdelay $0xb  }
0x104: {  	v9, _, _ =	vpop (xrf1)  }
0x105: {  	v9 =	vperm.xlane v9, v2  }
0x106: {  	v10, _, _ =	vpop (xrf1)  }
0x107: {  	v9 =	vmin.f32 v10, v9  }
0x108: {  	(xrf1) =	vsort.ascd.msk.f32 $0xffff, v9, v9  }
0x109: {  	v7 =	vmin.f32 v7, v8  }
0x10a: {  	(xrf1) =	vsort.ascd.msk.f32 $0xffff, v7, v7;
	_ =	sdelay $0x1  }
.Ltmp14:
0x10b: {  	(pc) =	sbr.rel @p0 .LBB2_15-.Ltmp14, $3  }
0x10c: {  	_ =	sdelay $0x1  }
0x10d: {  	s23 =	sadd.s32 $0x80, s23  }
0x10e: {  	s25 =	sand.u32 $0x70, s24;
	s26 =	sand.u32 $0x7C00, s23;
	s24 =	sadd.s32 $0x10, s24  }
0x10f: {  	_ =	sdelay $0x2  }
0x110: {  	s23 =	sor.u32 s25, s26  }
0x111: {  	v6 =	vld.idx.msk [tilespmem:v6+s23+$0x0 ss:$0x1], $0xffff;
	_ =	sdelay $0x2  }
0x112: {  	v7, _, _ =	vpop (xrf1)  }
0x113: {  	v7 =	vperm.xlane v7, v2  }
0x114: {  	(xrf1) =	vsort.ascd.msk.f32 $0xffff, v6, v6;
	v6, _, _ =	vpop (xrf1)  }
0x115: {  	v8 =	vmax.f32 v6, v7  }
0x116: {  	(xrf1) =	vsort.ascd.msk.f32 $0xffff, v8, v8;
	_ =	sdelay $0xb  }
0x117: {  	v8, _, _ =	vpop (xrf1)  }
0x118: {  	v8 =	vperm.xlane v8, v2  }
0x119: {  	v9, _, _ =	vpop (xrf1)  }
0x11a: {  	v8 =	vmin.f32 v9, v8  }
0x11b: {  	(xrf1) =	vsort.ascd.msk.f32 $0xffff, v8, v8  }
0x11c: {  	v6 =	vmin.f32 v6, v7  }
0x11d: {  	(xrf1) =	vsort.ascd.msk.f32 $0xffff, v6, v6;
	_ =	sdelay $0xb  }
0x11e: {  	v6, _, _ =	vpop (xrf1)  }
0x11f: {  	v6 =	vperm.xlane v6, v2  }
0x120: {  	v7, _, _ =	vpop (xrf1)  }
0x121: {  	v8 =	vmax.f32 v7, v6  }
0x122: {  	v6 =	vmin.f32 v7, v6;
	(xrf1) =	vsort.ascd.msk.f32 $0xffff, v8, v8  }
0x123: {  	(xrf1) =	vsort.ascd.msk.f32 $0xffff, v6, v6;
	_ =	sdelay $0x9  }
.Ltmp15:
0x124: {  	_ = 	snop;
	(pc) =	sbr.rel .LBB2_17-.Ltmp15, $3  }
0x125: {  	_ =	sdelay $0x1  }
0x126: {  	v7, _, _ =	vpop (xrf1)  }
0x127: {  	v6, _, _ =	vpop (xrf1)  }
.LBB2_10:
.Ltmp16:
0x128: {  	(pc) =	sbr.rel .LBB2_13-.Ltmp16, $2  }
0x129: {  	_ =	sdelay $0x2  }
0x12a: {  	_ = 	snop  }
.LBB2_18:
0x12b: {  	p0 =	seq.s32 s20, $0x7  }
.Ltmp17:
0x12c: {  	_ =	swait.ge [sflag:s15], $0x8000;
	s21 =	sadd.s32 @!p0 s19, s7;
	(pc) =	sbr.rel .LBB2_19-.Ltmp17, $4  }
0x12d: {  	[sflag:s15] =	ssyncset.done $0x0;
	s21 =	sshll.u32 @!p0 s21, $0x9  }
0x12e: {  	s22 =	simm.s32 @!p0 $0x0;
	[sflag:s15] =	ssyncadd.s32 $0xFFFF8000;
	s21 =	sadd.s32 @!p0 s4, s21  }
0x12f: {  	[tilespmem:s22], [sflag:$0x1] =	stream.linear.gather @!p0 [hbm4b:s21+s22], $0x8000, $0x38;
	[tilespmem:$0x11200] =	vst v63  }
0x130: {  	s20 =	sadd.s32 $0x1, s20;
	s21 =	simm.s32 $0x0;
	s22 =	simm.s32 $0x0;
	v5 =	vld [tilespmem:s19+$0x11080]  }
.LBB2_24:
0x131: {  	_ = 	snop  }
.LBB2_29:
0x132: {  	v9, _, _ =	vpop @p0 (xrf1)  }
0x133: {  	v9 =	vperm.xlane @p0 v9, v2;
	v10, _, _ =	vpop @p1 (xrf1)  }
0x134: {  	v10 =	vpsel p1, v10, v6  }
0x135: {  	(xrf1) =	vsort.ascd.msk.f32 $0xffff, v8, v8;
	v8 =	vmax.f32 @p0 v10, v9  }
0x136: {  	(xrf1) =	vsort.ascd.msk.f32 @p0 $0xffff, v8, v8;
	_ =	sdelay $0xc  }
0x137: {  	v8, _, _ =	vpop (xrf1)  }
0x138: {  	v8 =	vperm.xlane v8, v2;
	v11, _, _ =	vpop @p0 (xrf1)  }
0x139: {  	v7 =	vpsel p0, v11, v7  }
0x13a: {  	v7 =	vmin.f32 v7, v8  }
0x13b: {  	(xrf1) =	vsort.ascd.msk.f32 $0xffff, v7, v7;
	v7 =	vmin.f32 @p0 v10, v9  }
0x13c: {  	(xrf1) =	vsort.ascd.msk.f32 @p0 $0xffff, v7, v7;
	_ =	sdelay $0xc  }
0x13d: {  	v7, _, _ =	vpop (xrf1)  }
0x13e: {  	v7 =	vperm.xlane v7, v2;
	v8, _, _ =	vpop @p0 (xrf1)  }
0x13f: {  	v6 =	vpsel p0, v8, v6  }
0x140: {  	v8 =	vmax.f32 v6, v7  }
0x141: {  	v6 =	vmin.f32 v6, v7;
	(xrf1) =	vsort.ascd.msk.f32 $0xffff, v8, v8  }
0x142: {  	(xrf1) =	vsort.ascd.msk.f32 $0xffff, v6, v6;
	_ =	sdelay $0xc  }
0x143: {  	v7, _, _ =	vpop (xrf1)  }
0x144: {  	v6, _, _ =	vpop (xrf1)  }
.LBB2_33:
0x145: {  	vm1 =	veq.s32 v0, $0xF  }
0x146: {  	(xrf0) =	vmax.scan.msk.f32 $0xffff, v6;
	v6 =	vsel vm1, $0xBF800000, v7  }
0x147: {  	(xrf0) =	vmax.scan.msk.f32 $0xffff, v6;
	_ =	sdelay $0x2  }
0x148: {  	s22 =	sadd.s32 $0x1, s22  }
0x149: {  	p0 =	sne.s32 s22, $0x8  }
.Ltmp18:
0x14a: {  	v6, _, _ =	vpop (xrf0);
	(pc) =	sbr.rel @!p0 .LBB2_34-.Ltmp18, $3  }
0x14b: {  	v7, _, _ =	vpop (xrf0)  }
0x14c: {  	v6 =	vbroadcast v6, $0xF;
	v7 =	vbroadcast v7, $0xF;
	_ =	sdelay $0x1  }
0x14d: {  	v4 =	vsel vm0, v6, v4;
	v3 =	vsel vm0, v7, v3  }
.LBB2_19:
0x14e: {  	s23 =	sshll.u32 s22, $0x7  }
0x14f: {  	v6 =	vmov s23;
	_ =	sdelay $0x1  }
0x150: {  	s24 =	sor.u32 $0x8, s22  }
0x151: {  	s30 =	sand.u32 $0x40, s21;
	s25 =	sand.u32 $0x7C00, s21;
	v7 =	vmov s24  }
0x152: {  	s24 =	sor.u32 s30, s25;
	vm0 =	veq.s32 v7, v0  }
0x153: {  	v8 =	vnsel vm0, $0xBF800000, v5;
	v7 =	vld.idx.msk [tilespmem:v6+s24+$0x8020 ss:$0x1], $0xffff  }
0x154: {  	(xrf0) =	vmax.scan.msk.f32 $0xffff, v8;
	v10 =	vld.idx.msk [tilespmem:v6+s24+$0x8010 ss:$0x1], $0xffff  }
0x155: {  	v8 =	vld.idx.msk [tilespmem:v6+s24+$0x8030 ss:$0x1], $0xffff  }
0x156: {  	v11 =	vld.idx.msk [tilespmem:v6+s24+$0x8000 ss:$0x1], $0xffff;
	_ =	sdelay $0x3  }
0x157: {  	v9, _, _ =	vpop (xrf0)  }
0x158: {  	v12 =	vmin.f32 v11, v10;
	v13 =	vmin.f32 v7, v8;
	v9 =	vbroadcast v9, $0xF  }
0x159: {  	v12 =	vmin.f32 v12, v13  }
0x15a: {  	vm1 =	vlt.f32 v12, v9  }
0x15b: {  	v12 =	vmpcnt.ones.xlane vm1;
	_ =	sdelay $0x1  }
0x15c: {  	(v2sf) =	vpush v12, $0x0;
	_ =	sdelay $0xe  }
0x15d: {  	s31 =	spop (v2sf)  }
0x15e: {  	p0 =	slt.s32 s31, $0x1  }
0x15f: {  	vm2 =	vlt.f32 @!p0 v11, v9  }
0x160: {  	vm3 =	vlt.f32 @!p0 v10, v9;
	v12 =	vmpcnt.ones.xlane @!p0 vm2  }
0x161: {  	v13 =	vmpcnt.ones.xlane @!p0 vm3  }
0x162: {  	vm1 =	vlt.f32 @!p0 v7, v9;
	(v2sf) =	vpush @!p0 v12, $0x0  }
0x163: {  	v12 =	vmpcnt.ones.xlane @!p0 vm1;
	(v2sf) =	vpush @!p0 v13, $0x0;
	_ =	sdelay $0x1  }
0x164: {  	(v2sf) =	vpush @!p0 v12, $0x0;
	_ =	sdelay $0xb  }
0x165: {  	s24 =	spop @!p0 (v2sf)  }
0x166: {  	s25 =	sadd.s32 @!p0 $0x0, s24;
	s26 =	spop @!p0 (v2sf)  }
0x167: {  	[tilespmem:s21+$0x10000] =	vst.msk @!p0 vm2, v11;
	s24 =	simm.s32 $0x40;
	s28 =	sadd.s32 @!p0 s25, s26  }
0x168: {  	[tilespmem:s25+$0x10000] =	vst.msk @!p0 vm3, v10;
	s25 =	simm.s32 $0x200;
	s29 =	spop @!p0 (v2sf);
	s26 =	simm.s32 $0x0  }
.LBB2_20:
0x169: {  	s30 =	smov.u32 s26  }
0x16a: {  	s26 =	sand.u32 $0x40, s24;
	s31 =	sand.u32 $0x7C00, s25;
	[tilespmem:s28+$0x10000] =	vst.msk @!p0 vm1, v7;
	s28 =	sadd.s32 @!p0 s28, s29;
	vm1 =	vlt.f32 @!p0 v8, v9  }
0x16b: {  	s26 =	sor.u32 s26, s31;
	[tilespmem:s28+$0x10000] =	vst.msk @!p0 vm1, v8;
	v8 =	vmpcnt.ones.xlane @!p0 vm1  }
0x16c: {  	s24 =	sadd.s32 $0x40, s24;
	v7 =	vld.idx.msk [tilespmem:v6+s26+$0x8020 ss:$0x1], $0xffff  }
0x16d: {  	p1 =	sne.s32 s24, $0x1000;
	v10 =	vld.idx.msk [tilespmem:v6+s26+$0x8010 ss:$0x1], $0xffff;
	(v2sf) =	vpush @!p0 v8, $0x0  }
0x16e: {  	v8 =	vld.idx.msk [tilespmem:v6+s26+$0x8030 ss:$0x1], $0xffff  }
0x16f: {  	v11 =	vld.idx.msk [tilespmem:v6+s26+$0x8000 ss:$0x1], $0xffff;
	_ =	sdelay $0x5  }
0x170: {  	v13 =	vmin.f32 v7, v8;
	v12 =	vmin.f32 v11, v10  }
0x171: {  	v12 =	vmin.f32 v12, v13  }
0x172: {  	vm1 =	vlt.f32 v12, v9  }
0x173: {  	v12 =	vmpcnt.ones.xlane vm1;
	_ =	sdelay $0x1  }
0x174: {  	(v2sf) =	vpush v12, $0x0;
	_ =	sdelay $0x1  }
0x175: {  	s26 =	spop @!p0 (v2sf)  }
0x176: {  	s26 =	sadd.s32 @!p0 s28, s26  }
0x177: {  	s26 =	smov.u32 @p0 s30;
	_ =	sdelay $0xa  }
0x178: {  	s28 =	spop (v2sf)  }
0x179: {  	p0 =	slt.s32 s28, $0x1  }
0x17a: {  	vm2 =	vlt.f32 @!p0 v11, v9  }
0x17b: {  	vm3 =	vlt.f32 @!p0 v10, v9;
	v12 =	vmpcnt.ones.xlane @!p0 vm2  }
0x17c: {  	vm1 =	vlt.f32 @!p0 v7, v9;
	v13 =	vmpcnt.ones.xlane @!p0 vm3  }
0x17d: {  	v14 =	vmpcnt.ones.xlane @!p0 vm1;
	(v2sf) =	vpush @!p0 v12, $0x0  }
0x17e: {  	(v2sf) =	vpush @!p0 v13, $0x0  }
0x17f: {  	(v2sf) =	vpush @!p0 v14, $0x0;
	_ =	sdelay $0xa  }
.Ltmp19:
0x180: {  	(pc) =	sbr.rel @p1 .LBB2_20-.Ltmp19, $4  }
0x181: {  	_ = 	snop  }
0x182: {  	s28 =	spop @!p0 (v2sf)  }
0x183: {  	[tilespmem:s26+$0x10000] =	vst.msk @!p0 vm2, v11;
	s28 =	sadd.s32 @!p0 s26, s28;
	s29 =	spop @!p0 (v2sf)  }
0x184: {  	s25 =	sadd.s32 $0x200, s25;
	[tilespmem:s28+$0x10000] =	vst.msk @!p0 vm3, v10;
	s28 =	sadd.s32 @!p0 s28, s29;
	s29 =	spop @!p0 (v2sf)  }
0x185: {  	vm2 =	vlt.f32 @!p0 v8, v9  }
0x186: {  	v9 =	vmpcnt.ones.xlane @!p0 vm2;
	_ =	sdelay $0x1  }
0x187: {  	(v2sf) =	vpush @!p0 v9, $0x0;
	_ =	sdelay $0xe  }
0x188: {  	s25 =	sadd.s32 @!p0 s28, s29;
	s24 =	spop @!p0 (v2sf)  }
0x189: {  	s24 =	sadd.s32 @!p0 s25, s24  }
0x18a: {  	s24 =	smov.u32 @p0 s26  }
0x18b: {  	p1 =	slt.s32 s24, $0x1F  }
.Ltmp20:
0x18c: {  	_ = 	snop;
	(pc) =	sbr.rel @p1 .LBB2_30-.Ltmp20, $3  }
0x18d: {  	_ =	sdelay $0x1  }
0x18e: {  	[tilespmem:s28+$0x10000] =	vst.msk @!p0 vm1, v7  }
0x18f: {  	[tilespmem:s25+$0x10000] =	vst.msk @!p0 vm2, v8  }
0x190: {  	[tilespmem:s24+$0x10000] =	vst v1  }
0x191: {  	[tilespmem:s24+$0x10010] =	vst v1  }
0x192: {  	v6 =	vld [tilespmem:$0x10000]  }
0x193: {  	v7 =	vld [tilespmem:$0x10010];
	_ =	sdelay $0x3  }
0x194: {  	(xrf1) =	vsort.ascd.msk.f32 $0xffff, v6, v6  }
0x195: {  	(xrf1) =	vsort.ascd.msk.f32 $0xffff, v7, v7;
	_ =	sdelay $0xc  }
0x196: {  	v6, _, _ =	vpop (xrf1)  }
0x197: {  	v7, _, _ =	vpop (xrf1)  }
0x198: {  	v7 =	vperm.xlane v7, v2;
	_ =	sdelay $0x1  }
0x199: {  	v8 =	vmin.f32 v6, v7  }
0x19a: {  	v6 =	vmax.f32 v6, v7;
	(xrf1) =	vsort.ascd.msk.f32 $0xffff, v8, v8  }
0x19b: {  	(xrf1) =	vsort.ascd.msk.f32 $0xffff, v6, v6;
	_ =	sdelay $0x1  }
0x19c: {  	s23 =	sadd.s32 $0xF, s24  }
0x19d: {  	s24 =	sand.u32 $0xF, s23  }
0x19e: {  	s31 =	sshra.s32 s23, $0x1F;
	p1 =	slt.s32 s23, $0x0;
	p0 =	sne.s32 s24, $0x0  }
0x19f: {  	s24 =	sshrl.u32 s31, $0x1C;
	p0 =	por !p1, !p0  }
0x1a0: {  	s23 =	sadd.s32 s24, s23;
	s24 =	simm.s32 $0x1;
	p0 =	por !p0, !p0  }
0x1a1: {  	s23 =	sshra.s32 s23, $0x4;
	s24 =	simm.s32 @!p0 $0x0  }
0x1a2: {  	s24 =	ssub.s32 s23, s24  }
0x1a3: {  	p1 =	slt.s32 s24, $0x3  }
.Ltmp21:
0x1a4: {  	_ = 	snop;
	(pc) =	sbr.rel @p1 .LBB2_33-.Ltmp21, $3  }
0x1a5: {  	_ =	sdelay $0x1  }
0x1a6: {  	v6, _, _ =	vpop (xrf1)  }
0x1a7: {  	v7, _, _ =	vpop (xrf1)  }
0x1a8: {  	s24 =	simm.s32 $0xFFFFFFFF  }
0x1a9: {  	s24 =	simm.s32 @!p0 $0x0  }
0x1aa: {  	s23 =	sadd.s32 s24, s23  }
0x1ab: {  	s23 =	sadd.s32 $0xFFFFFFFE, s23  }
0x1ac: {  	p2 =	seq.s32 s23, $0x1  }
.Ltmp22:
0x1ad: {  	_ = 	snop;
	(pc) =	sbr.rel @p2 .LBB2_24-.Ltmp22, $4  }
0x1ae: {  	_ = 	snop  }
0x1af: {  	s31 =	simm.s32 $0x10020  }
0x1b0: {  	v8 =	vld [tilespmem:s31+$0x0]  }
0x1b1: {  	p1 =	por $0x0, $0x0;
	p0 =	por $0x0, $0x0;
	s23 =	sadd.s32 $0xFFFFFFFF, s23  }
0x1b2: {  	_ =	sdelay $0x2  }
0x1b3: {  	(xrf1) =	vsort.ascd.msk.f32 $0xffff, v8, v8;
	_ =	sdelay $0xd  }
0x1b4: {  	v8, _, _ =	vpop (xrf1)  }
0x1b5: {  	v8 =	vperm.xlane v8, v2;
	_ =	sdelay $0x1  }
0x1b6: {  	v8 =	vmin.f32 v7, v8  }
0x1b7: {  	(xrf1) =	vsort.ascd.msk.f32 $0xffff, v8, v8;
	_ =	sdelay $0x7  }
0x1b8: {  	p2 =	seq.s32 s23, $0x1  }
.Ltmp23:
0x1b9: {  	_ = 	snop;
	(pc) =	sbr.rel @p2 .LBB2_26-.Ltmp23, $4  }
0x1ba: {  	_ = 	snop  }
0x1bb: {  	s24 =	simm.s32 $0x10030  }
0x1bc: {  	v8 =	vld [tilespmem:s24+$0x0]  }
0x1bd: {  	p0 =	por $0x1, $0x1;
	s24 =	sadd.s32 $0xFFFFFFFF, s23  }
0x1be: {  	_ = 	snop  }
0x1bf: {  	v9, _, _ =	vpop (xrf1)  }
0x1c0: {  	v9 =	vperm.xlane v9, v2  }
0x1c1: {  	(xrf1) =	vsort.ascd.msk.f32 $0xffff, v8, v8  }
0x1c2: {  	v8 =	vmax.f32 v6, v9  }
0x1c3: {  	(xrf1) =	vsort.ascd.msk.f32 $0xffff, v8, v8;
	_ =	sdelay $0xb  }
0x1c4: {  	v8, _, _ =	vpop (xrf1)  }
0x1c5: {  	v8 =	vperm.xlane v8, v2  }
0x1c6: {  	v10, _, _ =	vpop (xrf1)  }
0x1c7: {  	v8 =	vmin.f32 v10, v8  }
0x1c8: {  	(xrf1) =	vsort.ascd.msk.f32 $0xffff, v8, v8;
	v8 =	vmin.f32 v6, v9  }
0x1c9: {  	(xrf1) =	vsort.ascd.msk.f32 $0xffff, v8, v8;
	_ =	sdelay $0x6  }
0x1ca: {  	p2 =	seq.s32 s24, $0x1  }
.Ltmp24:
0x1cb: {  	_ = 	snop;
	(pc) =	sbr.rel @p2 .LBB2_29-.Ltmp24, $4  }
0x1cc: {  	_ = 	snop  }
0x1cd: {  	s23 =	simm.s32 $0x10040  }
0x1ce: {  	v8 =	vld [tilespmem:s23+$0x0]  }
0x1cf: {  	s24 =	sadd.s32 $0xFFFFFFFF, s24;
	p1 =	por $0x1, $0x1  }
.LBB2_28:
0x1d0: {  	p2 =	seq.s32 s24, $0x1;
	_ =	sdelay $0x1  }
0x1d1: {  	v9, _, _ =	vpop (xrf1)  }
0x1d2: {  	v9 =	vperm.xlane v9, v2  }
0x1d3: {  	(xrf1) =	vsort.ascd.msk.f32 $0xffff, v8, v8;
	v8, _, _ =	vpop (xrf1)  }
0x1d4: {  	v10 =	vmax.f32 v8, v9  }
0x1d5: {  	(xrf1) =	vsort.ascd.msk.f32 $0xffff, v10, v10;
	_ =	sdelay $0xb  }
0x1d6: {  	v10, _, _ =	vpop (xrf1)  }
0x1d7: {  	v10 =	vperm.xlane v10, v2  }
0x1d8: {  	v11, _, _ =	vpop (xrf1)  }
0x1d9: {  	v10 =	vmin.f32 v11, v10  }
0x1da: {  	(xrf1) =	vsort.ascd.msk.f32 $0xffff, v10, v10  }
0x1db: {  	v8 =	vmin.f32 v8, v9  }
0x1dc: {  	(xrf1) =	vsort.ascd.msk.f32 $0xffff, v8, v8;
	_ =	sdelay $0x4  }
.Ltmp25:
0x1dd: {  	(pc) =	sbr.rel @!p2 .LBB2_28-.Ltmp25, $3  }
0x1de: {  	_ =	sdelay $0x1  }
0x1df: {  	s23 =	sadd.s32 $0x10, s23  }
0x1e0: {  	s24 =	sadd.s32 $0xFFFFFFFF, s24;
	v8 =	vld [tilespmem:s23+$0x0]  }
.Ltmp26:
0x1e1: {  	_ = 	snop;
	(pc) =	sbr.rel .LBB2_29-.Ltmp26, $1  }
0x1e2: {  	_ =	sdelay $0x3  }
.LBB2_30:
0x1e3: {  	v7 =	vld [tilespmem:s23+$0x8000]  }
0x1e4: {  	v8 =	vld [tilespmem:s23+$0x8010];
	_ =	sdelay $0x3  }
0x1e5: {  	(xrf1) =	vsort.ascd.msk.f32 $0xffff, v7, v7  }
0x1e6: {  	(xrf1) =	vsort.ascd.msk.f32 $0xffff, v8, v8;
	_ =	sdelay $0xb  }
0x1e7: {  	s28 =	simm.s32 $0x20;
	s24 =	simm.s32 $0x100  }
0x1e8: {  	s23 =	sand.u32 $0x70, s28;
	s24 =	sand.u32 $0x7C00, s24;
	v7, _, _ =	vpop (xrf1)  }
0x1e9: {  	s23 =	sor.u32 s23, s24;
	v8, _, _ =	vpop (xrf1)  }
0x1ea: {  	v9 =	vld.idx.msk [tilespmem:v6+s23+$0x8000 ss:$0x1], $0xffff;
	v8 =	vperm.xlane v8, v2;
	_ =	sdelay $0x1  }
0x1eb: {  	v10 =	vmin.f32 v7, v8  }
0x1ec: {  	v7 =	vmax.f32 v7, v8;
	(xrf1) =	vsort.ascd.msk.f32 $0xffff, v10, v10  }
0x1ed: {  	(xrf1) =	vsort.ascd.msk.f32 $0xffff, v7, v7  }
0x1ee: {  	(xrf1) =	vsort.ascd.msk.f32 $0xffff, v9, v9;
	_ =	sdelay $0xb  }
0x1ef: {  	v7, _, _ =	vpop (xrf1)  }
0x1f0: {  	v8, _, _ =	vpop (xrf1)  }
0x1f1: {  	v9, _, _ =	vpop (xrf1)  }
0x1f2: {  	v9 =	vperm.xlane v9, v2;
	_ =	sdelay $0x1  }
0x1f3: {  	v8 =	vmin.f32 v8, v9  }
0x1f4: {  	(xrf1) =	vsort.ascd.msk.f32 $0xffff, v8, v8;
	_ =	sdelay $0x7  }
0x1f5: {  	s29 =	simm.s32 $0x30;
	s30 =	simm.s32 $0x180  }
0x1f6: {  	s24 =	sand.u32 $0x7C00, s30;
	s23 =	sand.u32 $0x70, s29  }
0x1f7: {  	s23 =	sor.u32 s23, s24  }
0x1f8: {  	v8 =	vld.idx.msk [tilespmem:v6+s23+$0x8000 ss:$0x1], $0xffff;
	_ =	sdelay $0x2  }
0x1f9: {  	v62, _, _ =	vpop (xrf1)  }
0x1fa: {  	v9 =	vperm.xlane v62, v2  }
0x1fb: {  	(xrf1) =	vsort.ascd.msk.f32 $0xffff, v8, v8  }
0x1fc: {  	v8 =	vmax.f32 v7, v9  }
0x1fd: {  	(xrf1) =	vsort.ascd.msk.f32 $0xffff, v8, v8;
	_ =	sdelay $0xb  }
0x1fe: {  	v8, _, _ =	vpop (xrf1)  }
0x1ff: {  	v8 =	vperm.xlane v8, v2  }
0x200: {  	v63, _, _ =	vpop (xrf1)  }
0x201: {  	v8 =	vmin.f32 v63, v8  }
0x202: {  	(xrf1) =	vsort.ascd.msk.f32 $0xffff, v8, v8  }
0x203: {  	v7 =	vmin.f32 v7, v9  }
0x204: {  	(xrf1) =	vsort.ascd.msk.f32 $0xffff, v7, v7;
	_ =	sdelay $0x4  }
0x205: {  	s31 =	simm.s32 $0x40;
	s23 =	simm.s32 $0x200  }
0x206: {  	s25 =	sand.u32 $0x70, s31;
	s24 =	simm.s32 $0x50;
	s26 =	sand.u32 $0x7C00, s23  }
.LBB2_31:
0x207: {  	p0 =	sne.s32 s24, $0xFF0;
	s25 =	sor.u32 s25, s26  }
0x208: {  	v7 =	vld.idx.msk [tilespmem:v6+s25+$0x8000 ss:$0x1], $0xffff;
	_ =	sdelay $0x3  }
0x209: {  	v8, _, _ =	vpop (xrf1)  }
0x20a: {  	v8 =	vperm.xlane v8, v2  }
0x20b: {  	(xrf1) =	vsort.ascd.msk.f32 $0xffff, v7, v7;
	v7, _, _ =	vpop (xrf1)  }
0x20c: {  	v9 =	vmax.f32 v7, v8  }
0x20d: {  	(xrf1) =	vsort.ascd.msk.f32 $0xffff, v9, v9;
	_ =	sdelay $0xb  }
0x20e: {  	v9, _, _ =	vpop (xrf1)  }
0x20f: {  	v9 =	vperm.xlane v9, v2  }
0x210: {  	v10, _, _ =	vpop (xrf1)  }
0x211: {  	v9 =	vmin.f32 v10, v9  }
0x212: {  	(xrf1) =	vsort.ascd.msk.f32 $0xffff, v9, v9  }
0x213: {  	v7 =	vmin.f32 v7, v8  }
0x214: {  	(xrf1) =	vsort.ascd.msk.f32 $0xffff, v7, v7;
	_ =	sdelay $0x1  }
.Ltmp27:
0x215: {  	(pc) =	sbr.rel @p0 .LBB2_31-.Ltmp27, $3  }
0x216: {  	_ =	sdelay $0x1  }
0x217: {  	s23 =	sadd.s32 $0x80, s23  }
0x218: {  	s25 =	sand.u32 $0x70, s24;
	s26 =	sand.u32 $0x7C00, s23;
	s24 =	sadd.s32 $0x10, s24  }
0x219: {  	_ =	sdelay $0x2  }
0x21a: {  	s23 =	sor.u32 s25, s26  }
0x21b: {  	v6 =	vld.idx.msk [tilespmem:v6+s23+$0x8000 ss:$0x1], $0xffff;
	_ =	sdelay $0x2  }
0x21c: {  	v7, _, _ =	vpop (xrf1)  }
0x21d: {  	v7 =	vperm.xlane v7, v2  }
0x21e: {  	(xrf1) =	vsort.ascd.msk.f32 $0xffff, v6, v6;
	v6, _, _ =	vpop (xrf1)  }
0x21f: {  	v8 =	vmax.f32 v6, v7  }
0x220: {  	(xrf1) =	vsort.ascd.msk.f32 $0xffff, v8, v8;
	_ =	sdelay $0xb  }
0x221: {  	v8, _, _ =	vpop (xrf1)  }
0x222: {  	v8 =	vperm.xlane v8, v2  }
0x223: {  	v9, _, _ =	vpop (xrf1)  }
0x224: {  	v8 =	vmin.f32 v9, v8  }
0x225: {  	(xrf1) =	vsort.ascd.msk.f32 $0xffff, v8, v8  }
0x226: {  	v6 =	vmin.f32 v6, v7  }
0x227: {  	(xrf1) =	vsort.ascd.msk.f32 $0xffff, v6, v6;
	_ =	sdelay $0xb  }
0x228: {  	v6, _, _ =	vpop (xrf1)  }
0x229: {  	v6 =	vperm.xlane v6, v2  }
0x22a: {  	v7, _, _ =	vpop (xrf1)  }
0x22b: {  	v8 =	vmax.f32 v7, v6  }
0x22c: {  	v6 =	vmin.f32 v7, v6;
	(xrf1) =	vsort.ascd.msk.f32 $0xffff, v8, v8  }
0x22d: {  	(xrf1) =	vsort.ascd.msk.f32 $0xffff, v6, v6;
	_ =	sdelay $0x9  }
.Ltmp28:
0x22e: {  	_ = 	snop;
	(pc) =	sbr.rel .LBB2_33-.Ltmp28, $3  }
0x22f: {  	_ =	sdelay $0x1  }
0x230: {  	v7, _, _ =	vpop (xrf1)  }
0x231: {  	v6, _, _ =	vpop (xrf1)  }
.LBB2_26:
.Ltmp29:
0x232: {  	(pc) =	sbr.rel .LBB2_29-.Ltmp29, $2  }
0x233: {  	_ =	sdelay $0x2  }
0x234: {  	_ = 	snop  }
.LBB2_36:
0x235: {  	_ =	sfence.sel $0x180000  }
0x236: {  	[bflag:$0x0] =	sbarrier.arrive $0xFFFF  }
0x237: {  	p0 =	sne.s32 s1, $0x0;
	_ =	strace $0x90000047  }
0x238: {  	s0 =	sadd.s32 @!p0 $0x100000, s0;
	[bflag:$0x2] =	sbarrier.arrive $0xFFFF  }
0x239: {  	[sflag:s0] =	ssyncadd.tile.s32 @!p0 $0x1;
	_ =	shalt  }
.Lfunc_end2:
_tile_overlayer_lowered:
.L_overlay_start_2:
0x23a: {  	(tag) =	ssettag $0x2  }
0x23b: {  	s0 =	rddreg [dreg:$0x0];
	s2 =	stileid.u32  }
0x23c: {  	s1 =	rddreg [dreg:$0x1];
	p0 =	sne.s32 s2, $0x0  }
0x23d: {  	s3 =	rddreg [dreg:$0x2];
	[bflag:$0x3] =	sbarrier.arrive $0xFFFF;
	s2 =	simm.s32 @!p0 $0x1C03  }
0x23e: {  	[timem:s3], [sflag:s2] =	dma.local @!p0 [hbm:s0], s1  }
0x23f: {  	s0 =	simm.s32 @!p0 $0x3  }
0x240: {  	_ =	swait.ge @!p0 [sflag:s0], s1  }
0x241: {  	s1 =	ssub.s32 @!p0 $0x0, s1;
	[sflag:s0] =	ssyncset.done @!p0 $0x0  }
0x242: {  	[sflag:s0] =	ssyncadd.s32 @!p0 s1  }
0x243: {  	[bflag:$0x3] =	sbarrier.arrive $0xFFFF  }
0x244: {  	_ =	shalt  }

</sc_bundles>
